<compile_context>
chip_gen: v7x
topology: tpu7x:2x2x1
jax: 0.10.2.dev20260603
libtpu: 0.0.44.dev20260713+nightly
codegen_flags: <defaults>
</compile_context>

<pallas_src>
import jax
import jax.numpy as jnp
from jax import lax
from jax.experimental import pallas as pl
from jax.experimental.pallas import tpu as pltpu
from jax.experimental.pallas import tpu_sc as plsc

_N = 10000
_NPAD = 10240
_E = 320000
_DIN = 128
_H = 64
_NC = 2
_NS = 16
_NW = _NC * _NS
_CHUNK = 128
_KCH = 81
_NG = _KCH // 3
_EPW = _CHUNK * _KCH
_EPAD = _EPW * _NW
_RPT = _NPAD // _NS
_BLK = 2048
_GRID = _NPAD // _BLK

_sc_mesh = plsc.VectorSubcoreMesh(core_axis_name="c", subcore_axis_name="s")


_NVEC = _EPW // 16


def _deg_body(dst_hbm, out_hbm, dst_v, hist_v, red_v, out_v, part_sh, dsem):
    cid = lax.axis_index("c")
    sid = lax.axis_index("s")
    wid = cid * _NS + sid

    d = pltpu.async_copy(dst_hbm.at[wid], dst_v, dsem)

    def zero(i, c):
        hist_v[pl.ds(i * 16, 16)] = jnp.zeros((16,), jnp.float32)
        return c
    lax.fori_loop(0, _NPAD // 16, zero, 0)
    d.wait()

    ones = jnp.full((16,), 1.0, jnp.float32)

    def body(i, c):
        plsc.addupdate_scatter(hist_v, [dst_v[i]], ones)
        return c
    lax.fori_loop(0, _NVEC, body, 0)

    pltpu.sync_copy(hist_v, part_sh.at[sid])
    plsc.subcore_barrier()
    pltpu.sync_copy(part_sh.at[:, pl.ds(sid * _RPT, _RPT)], red_v)

    def red(i, c):
        acc = jnp.zeros((16,), jnp.float32)
        for r in range(_NS):
            acc = acc + red_v[r, pl.ds(i * 16, 16)]
        out_v[pl.ds(i * 16, 16)] = acc
        return c
    lax.fori_loop(0, _RPT // 16, red, 0)

    pltpu.sync_copy(out_v, out_hbm.at[cid, pl.ds(sid * _RPT, _RPT)])


_deg_call = pl.kernel(
    _deg_body,
    out_type=jax.ShapeDtypeStruct((_NC, _NPAD), jnp.float32),
    mesh=_sc_mesh,
    compiler_params=pltpu.CompilerParams(use_tc_tiling_on_sc=False,
                                         needs_layout_passes=False),
    scratch_types=[
        pltpu.VMEM((_NVEC, 16), jnp.int32),
        pltpu.VMEM((_NPAD,), jnp.float32),
        pltpu.VMEM((_NS, _RPT), jnp.float32),
        pltpu.VMEM((_RPT,), jnp.float32),
        pltpu.VMEM_SHARED((_NS, _NPAD), jnp.float32),
        pltpu.SemaphoreType.DMA,
    ],
)


def _agg_body(y_hbm, src_hbm, dst_hbm, zeros_hbm, out_hbm,
              src_v, dst_v, rows_v, rows_w, rows_u, y_sh, accum_sh, gsems,
              psems):
    cid = lax.axis_index("c")
    sid = lax.axis_index("s")
    wid = cid * _NS + sid

    pre = [
        pltpu.async_copy(zeros_hbm.at[pl.ds(sid * _RPT, _RPT)],
                         accum_sh.at[pl.ds(sid * _RPT, _RPT)], psems[0]),
        pltpu.async_copy(y_hbm.at[pl.ds(sid * _RPT, _RPT)],
                         y_sh.at[pl.ds(sid * _RPT, _RPT)], psems[1]),
        pltpu.async_copy(src_hbm.at[wid], src_v, psems[2]),
        pltpu.async_copy(dst_hbm.at[wid], dst_v, psems[3]),
    ]
    for d in pre:
        d.wait()
    plsc.subcore_barrier()

    bufs = [rows_v, rows_w, rows_u]

    def start_gather(buf, gs, j):
        pltpu.async_copy(y_sh.at[src_v.at[j]], buf, gs)

    def wait_gather(buf, gs):
        pltpu.make_async_copy(y_sh.at[src_v.at[0]], buf, gs).wait()

    for b in range(3):
        start_gather(bufs[b], gsems[b], b)

    def trio(i, c):
        base = i * 3
        for b in range(3):
            wait_gather(bufs[b], gsems[b])
            pltpu.sync_copy(bufs[b], accum_sh.at[dst_v.at[base + b]],
                            add=True)

            @pl.when(i < _NG - 1)
            def _():
                start_gather(bufs[b], gsems[b], base + 3 + b)
        return c
    lax.fori_loop(0, _NG, trio, 0)

    plsc.subcore_barrier()
    pltpu.sync_copy(accum_sh.at[pl.ds(sid * _RPT, _RPT)],
                    out_hbm.at[cid, pl.ds(sid * _RPT, _RPT)])


_agg_call = pl.kernel(
    _agg_body,
    out_type=jax.ShapeDtypeStruct((_NC, _NPAD, _H), jnp.float32),
    mesh=_sc_mesh,
    compiler_params=pltpu.CompilerParams(use_tc_tiling_on_sc=False),
    scratch_types=[
        pltpu.VMEM((_KCH, _CHUNK), jnp.int32),
        pltpu.VMEM((_KCH, _CHUNK), jnp.int32),
        pltpu.VMEM((_CHUNK, _H), jnp.float32),
        pltpu.VMEM((_CHUNK, _H), jnp.float32),
        pltpu.VMEM((_CHUNK, _H), jnp.float32),
        pltpu.VMEM_SHARED((_NPAD, _H), jnp.float32),
        pltpu.VMEM_SHARED((_NPAD, _H), jnp.float32),
        [pltpu.SemaphoreType.DMA] * 3,
        [pltpu.SemaphoreType.DMA] * 4,
    ],
)


def _dinv_of(p_ref):
    deg = p_ref[0] + p_ref[1] + 1.0
    return lax.rsqrt(deg)[:, None]


def _tc1_body(p_ref, x_ref, w1_ref, y_ref):
    xw = jnp.dot(x_ref[:], w1_ref[:], preferred_element_type=jnp.float32)
    y_ref[:] = _dinv_of(p_ref) * xw


_tc1_call = pl.pallas_call(
    _tc1_body,
    grid=(_GRID,),
    in_specs=[
        pl.BlockSpec((_NC, _BLK), lambda i: (0, i)),
        pl.BlockSpec((_BLK, _DIN), lambda i: (i, 0)),
        pl.BlockSpec((_DIN, _H), lambda i: (0, 0)),
    ],
    out_specs=pl.BlockSpec((_BLK, _H), lambda i: (i, 0)),
    out_shape=jax.ShapeDtypeStruct((_NPAD, _H), jnp.float32),
)


def _tc2_body(p_ref, s_ref, y1_ref, b1_ref, w2_ref, y2_ref):
    s = s_ref[0] + s_ref[1] + y1_ref[:]
    dinv = _dinv_of(p_ref)
    g1 = jnp.maximum(dinv * s + b1_ref[:], 0.0)
    y2_ref[:] = dinv * jnp.dot(g1, w2_ref[:], preferred_element_type=jnp.float32)


_tc2_call = pl.pallas_call(
    _tc2_body,
    grid=(_GRID,),
    in_specs=[
        pl.BlockSpec((_NC, _BLK), lambda i: (0, i)),
        pl.BlockSpec((_NC, _BLK, _H), lambda i: (0, i, 0)),
        pl.BlockSpec((_BLK, _H), lambda i: (i, 0)),
        pl.BlockSpec((1, _H), lambda i: (0, 0)),
        pl.BlockSpec((_H, _H), lambda i: (0, 0)),
    ],
    out_specs=pl.BlockSpec((_BLK, _H), lambda i: (i, 0)),
    out_shape=jax.ShapeDtypeStruct((_NPAD, _H), jnp.float32),
)


def _tc3_body(p_ref, s_ref, y2_ref, b2_ref, wd1_ref, bd1_ref, wd2_ref,
              bd2_ref, res_ref):
    s = s_ref[0] + s_ref[1] + y2_ref[:]
    dinv = _dinv_of(p_ref)
    g2 = jnp.maximum(dinv * s + b2_ref[:], 0.0)
    d3 = jnp.maximum(
        jnp.dot(g2, wd1_ref[:], preferred_element_type=jnp.float32) + bd1_ref[:],
        0.0)
    res_ref[:] = jnp.dot(d3, wd2_ref[:],
                         preferred_element_type=jnp.float32) + bd2_ref[:]


_tc3_call = pl.pallas_call(
    _tc3_body,
    grid=(_GRID,),
    in_specs=[
        pl.BlockSpec((_NC, _BLK), lambda i: (0, i)),
        pl.BlockSpec((_NC, _BLK, _H), lambda i: (0, i, 0)),
        pl.BlockSpec((_BLK, _H), lambda i: (i, 0)),
        pl.BlockSpec((1, _H), lambda i: (0, 0)),
        pl.BlockSpec((_H, 32), lambda i: (0, 0)),
        pl.BlockSpec((1, 32), lambda i: (0, 0)),
        pl.BlockSpec((32, 1), lambda i: (0, 0)),
        pl.BlockSpec((1, 1), lambda i: (0, 0)),
    ],
    out_specs=pl.BlockSpec((_BLK, 1), lambda i: (i, 0)),
    out_shape=jax.ShapeDtypeStruct((_N, 1), jnp.float32),
)


@jax.jit
def kernel(x, edge_index, W1, b1, W2, b2, Wd1, bd1, Wd2, bd2):
    src = edge_index[0]
    dst = edge_index[1]
    pad_idx = jnp.full((_EPAD - _E,), _N, jnp.int32)
    src_p = jnp.concatenate([src, pad_idx]).reshape(_NW, _KCH, _CHUNK)
    dst_p = jnp.concatenate([dst, pad_idx]).reshape(_NW, _KCH, _CHUNK)
    zeros64 = jnp.zeros((_NPAD, _H), jnp.float32)

    degp = _deg_call(dst_p.reshape(_NW, _NVEC, 16))
    y1 = _tc1_call(degp, x, W1)
    s1 = _agg_call(y1, src_p, dst_p, zeros64)
    y2 = _tc2_call(degp, s1, y1, b1.reshape(1, _H), W2)
    s2 = _agg_call(y2, src_p, dst_p, zeros64)
    res = _tc3_call(degp, s2, y2, b2.reshape(1, _H), Wd1, bd1.reshape(1, 32),
                    Wd2, bd2.reshape(1, 1))
    return res

# --- scband reference (transcript-rebuilt; emitter-appended) ---
"""Pipeline reference for scband-ggcn-10565619548474 (READ-ONLY COPY).

The authoritative reference and input builder live on the scoring server;
editing this copy changes nothing except your own understanding.
"""

import jax, jax.numpy as jnp
import numpy as np

N = 10000
E = 320000
D_IN = 128
H = 64


def setup_inputs(seed: int = 0) -> dict:
    key = jax.random.key(seed)
    ks = jax.random.split(key, 12)
    x = jax.random.normal(ks[0], (N, D_IN), dtype=jnp.float32)
    edge_index = jax.random.randint(ks[1], (2, E), 0, N, dtype=jnp.int32)
    W1 = jax.random.normal(ks[2], (D_IN, H), dtype=jnp.float32) * 0.05
    b1 = jnp.zeros((H,), dtype=jnp.float32)
    W2 = jax.random.normal(ks[3], (H, H), dtype=jnp.float32) * 0.05
    b2 = jnp.zeros((H,), dtype=jnp.float32)
    Wd1 = jax.random.normal(ks[4], (H, 32), dtype=jnp.float32) * 0.05
    bd1 = jnp.zeros((32,), dtype=jnp.float32)
    Wd2 = jax.random.normal(ks[5], (32, 1), dtype=jnp.float32) * 0.05
    bd2 = jnp.zeros((1,), dtype=jnp.float32)
    return {"x": x, "edge_index": edge_index, "W1": W1, "b1": b1, "W2": W2, "b2": b2,
            "Wd1": Wd1, "bd1": bd1, "Wd2": Wd2, "bd2": bd2}


def _gcn_layer(x, src, dst, norm, W, b):
    # spektral GCNConv: A_hat @ X @ W + b, then relu
    xw = x @ W
    msg = xw[src] * norm[:, None]
    agg = jnp.zeros((N, xw.shape[1]), dtype=xw.dtype).at[dst].add(msg)
    return jax.nn.relu(agg + b)


def reference(x, edge_index, W1, b1, W2, b2, Wd1, bd1, Wd2, bd2):
    # GCN normalization with self-loops: D^{-1/2} (A + I) D^{-1/2}
    src = edge_index[0]
    dst = edge_index[1]
    loop = jnp.arange(N, dtype=src.dtype)
    src = jnp.concatenate([src, loop])
    dst = jnp.concatenate([dst, loop])
    deg = jnp.zeros((N,), dtype=jnp.float32).at[dst].add(1.0)
    dinv = jax.lax.rsqrt(jnp.maximum(deg, 1e-12))
    norm = dinv[src] * dinv[dst]
    g1 = _gcn_layer(x, src, dst, norm, W1, b1)
    g2 = _gcn_layer(g1, src, dst, norm, W2, b2)
    d3 = jax.nn.relu(g2 @ Wd1 + bd1)
    res = d3 @ Wd2 + bd2
    return res

if __name__ == "__main__":
    import jax
    _d = setup_inputs()
    print(jax.jit(kernel)(*tuple(_d.values())))

</pallas_src>

<mosaic_0001>
#map = affine_map<(d0, d1) -> (0, 0, 0)>
#map1 = affine_map<(d0, d1) -> (0, 0)>
module attributes {stable_mosaic.version = 14 : i64} {
  func.func @_deg_body(%arg0: i32, %arg1: i32, %arg2: memref<32x648x16xi32, #tpu.memory_space<hbm>>, %arg3: memref<2x10240xf32, #tpu.memory_space<hbm>>, %arg4: memref<648x16xi32, #tpu.memory_space<vmem>>, %arg5: memref<10240xf32, #tpu.memory_space<vmem>>, %arg6: memref<16x640xf32, #tpu.memory_space<vmem>>, %arg7: memref<640xf32, #tpu.memory_space<vmem>>, %arg8: memref<16x10240xf32, #tpu.memory_space<vmem_shared>>, %arg9: memref<!tpu.dma_semaphore, #tpu.memory_space<semaphore_mem>>) attributes {dimension_semantics = [#tpu.dimension_semantics<core_parallel>, #tpu.dimension_semantics<subcore_parallel>], iteration_bounds = array<i64: 2, 16>, scalar_prefetch = 0 : i64, scratch_operands = 6 : i64, tpu.core_type = #tpu.core_type<sc_vector_subcore>, window_params = [{transform_indices = #map}, {transform_indices = #map1}]} {
    %mul3A = arith.constant 16 : i32
    %mul3A_0 = arith.muli %arg0, %mul3A : i32
    %add3A = arith.addi %mul3A_0, %arg1 : i32
    %dma_start3A = arith.constant 0 : i32
    %dma_start3A_1 = arith.constant 0 : i32
    %dma_start3A_2 = tpu.memref_slice %arg2[%add3A, %dma_start3A, %dma_start3A_1] : memref<32x648x16xi32, #tpu.memory_space<hbm>> -> memref<1x648x16xi32, #tpu.memory_space<hbm>>
    %dma_start3A_3 = tpu.memref_squeeze %dma_start3A_2 : memref<1x648x16xi32, #tpu.memory_space<hbm>> -> memref<648x16xi32, #tpu.memory_space<hbm>>
    %dma_start3A_4 = arith.constant 0 : i32
    %dma_start3A_5 = arith.constant 0 : i32
    %dma_start3A_6 = tpu.memref_slice %arg2[%add3A, %dma_start3A_4, %dma_start3A_5] : memref<32x648x16xi32, #tpu.memory_space<hbm>> -> memref<1x648x16xi32, #tpu.memory_space<hbm>>
    %dma_start3A_7 = tpu.memref_squeeze %dma_start3A_6 : memref<1x648x16xi32, #tpu.memory_space<hbm>> -> memref<648x16xi32, #tpu.memory_space<hbm>>
    tpu.enqueue_dma source(%dma_start3A_7 : memref<648x16xi32, #tpu.memory_space<hbm>>) target(%arg4 : memref<648x16xi32, #tpu.memory_space<vmem>>) target_semaphore(%arg9 : memref<!tpu.dma_semaphore, #tpu.memory_space<semaphore_mem>>)
    %scan3A = arith.constant 0 : i32
    %scan3A_8 = arith.constant 0 : i32
    %scan3A_9 = arith.constant 640 : i32
    %scan3A_10 = arith.addi %scan3A_8, %scan3A_9 : i32
    %scan3A_11 = arith.constant 1 : i32
    scf.for %scan3A_37 = %scan3A_8 to %scan3A_10 step %scan3A_11  : i32 {
      %broadcast_in_dim3A_38 = arith.constant 0.000000e+00 : f32
      %broadcast_in_dim3A_39 = vector.broadcast %broadcast_in_dim3A_38 : f32 to vector<16xf32>
      %mul3A_40 = arith.constant 16 : i32
      %mul3A_41 = arith.muli %scan3A_37, %mul3A_40 : i32
      %swap3A = arith.index_cast %mul3A_41 : i32 to index
      %swap3A_42 = tpu.vector_load %arg5[%swap3A] {strides = array<i32>} : memref<10240xf32, #tpu.memory_space<vmem>>, vector<16xf32>,
      tpu.vector_store %arg5[%swap3A], %broadcast_in_dim3A_39 {strides = array<i32>} : memref<10240xf32, #tpu.memory_space<vmem>>, vector<16xf32>,
    }
    %scan3A_12 = arith.constant 640 : i32
    %dma_wait3A = arith.constant 0 : i32
    %dma_wait3A_13 = arith.constant 0 : i32
    %dma_wait3A_14 = tpu.memref_slice %arg2[%add3A, %dma_wait3A, %dma_wait3A_13] : memref<32x648x16xi32, #tpu.memory_space<hbm>> -> memref<1x648x16xi32, #tpu.memory_space<hbm>>
    %dma_wait3A_15 = tpu.memref_squeeze %dma_wait3A_14 : memref<1x648x16xi32, #tpu.memory_space<hbm>> -> memref<648x16xi32, #tpu.memory_space<hbm>>
    %dma_wait3A_16 = arith.constant 0 : i32
    %dma_wait3A_17 = arith.constant 0 : i32
    %dma_wait3A_18 = tpu.memref_slice %arg2[%add3A, %dma_wait3A_16, %dma_wait3A_17] : memref<32x648x16xi32, #tpu.memory_space<hbm>> -> memref<1x648x16xi32, #tpu.memory_space<hbm>>
    %dma_wait3A_19 = tpu.memref_squeeze %dma_wait3A_18 : memref<1x648x16xi32, #tpu.memory_space<hbm>> -> memref<648x16xi32, #tpu.memory_space<hbm>>
    tpu.wait_dma2 semaphore(%arg9 : memref<!tpu.dma_semaphore, #tpu.memory_space<semaphore_mem>>) src(%dma_wait3A_19 : memref<648x16xi32, #tpu.memory_space<hbm>>) dst(%arg4 : memref<648x16xi32, #tpu.memory_space<vmem>>)
    %broadcast_in_dim3A = arith.constant 1.000000e+00 : f32
    %broadcast_in_dim3A_20 = vector.broadcast %broadcast_in_dim3A : f32 to vector<16xf32>
    %scan3A_21 = arith.constant 0 : i32
    %scan3A_22 = arith.constant 0 : i32
    %scan3A_23 = arith.constant 648 : i32
    %scan3A_24 = arith.addi %scan3A_22, %scan3A_23 : i32
    %scan3A_25 = arith.constant 1 : i32
    scf.for %scan3A_37 = %scan3A_22 to %scan3A_24 step %scan3A_25  : i32 {
      %get3A = arith.index_cast %scan3A_37 : i32 to index
      %get3A_38 = arith.constant 0 : index
      %get3A_39 = tpu.vector_load %arg4[%get3A, %get3A_38] {strides = array<i32>} : memref<648x16xi32, #tpu.memory_space<vmem>>, vector<16xi32>,
      tpu.vector_store_idx %arg5[%get3A_39], %broadcast_in_dim3A_20 {add = true} : memref<10240xf32, #tpu.memory_space<vmem>>[vector<16xi32>], vector<16xf32>,
    }
    %scan3A_26 = arith.constant 648 : i32
    "tpu.region"() ({
      %run_scoped3A = tpu.sem_alloc : memref<!tpu.dma_semaphore, #tpu.memory_space<semaphore_mem>>
      %dma_start3A_37 = arith.constant 0 : i32
      %dma_start3A_38 = tpu.memref_slice %arg8[%arg1, %dma_start3A_37] : memref<16x10240xf32, #tpu.memory_space<vmem_shared>> -> memref<1x10240xf32, #tpu.memory_space<vmem_shared>>
      %dma_start3A_39 = tpu.memref_squeeze %dma_start3A_38 : memref<1x10240xf32, #tpu.memory_space<vmem_shared>> -> memref<10240xf32, #tpu.memory_space<vmem_shared>>
      %dma_start3A_40 = arith.constant 0 : i32
      %dma_start3A_41 = tpu.memref_slice %arg8[%arg1, %dma_start3A_40] : memref<16x10240xf32, #tpu.memory_space<vmem_shared>> -> memref<1x10240xf32, #tpu.memory_space<vmem_shared>>
      %dma_start3A_42 = tpu.memref_squeeze %dma_start3A_41 : memref<1x10240xf32, #tpu.memory_space<vmem_shared>> -> memref<10240xf32, #tpu.memory_space<vmem_shared>>
      tpu.enqueue_dma source(%arg5 : memref<10240xf32, #tpu.memory_space<vmem>>) target(%dma_start3A_42 : memref<10240xf32, #tpu.memory_space<vmem_shared>>) target_semaphore(%run_scoped3A : memref<!tpu.dma_semaphore, #tpu.memory_space<semaphore_mem>>)
      %dma_wait3A_43 = arith.constant 0 : i32
      %dma_wait3A_44 = tpu.memref_slice %arg8[%arg1, %dma_wait3A_43] : memref<16x10240xf32, #tpu.memory_space<vmem_shared>> -> memref<1x10240xf32, #tpu.memory_space<vmem_shared>>
      %dma_wait3A_45 = tpu.memref_squeeze %dma_wait3A_44 : memref<1x10240xf32, #tpu.memory_space<vmem_shared>> -> memref<10240xf32, #tpu.memory_space<vmem_shared>>
      %dma_wait3A_46 = arith.constant 0 : i32
      %dma_wait3A_47 = tpu.memref_slice %arg8[%arg1, %dma_wait3A_46] : memref<16x10240xf32, #tpu.memory_space<vmem_shared>> -> memref<1x10240xf32, #tpu.memory_space<vmem_shared>>
      %dma_wait3A_48 = tpu.memref_squeeze %dma_wait3A_47 : memref<1x10240xf32, #tpu.memory_space<vmem_shared>> -> memref<10240xf32, #tpu.memory_space<vmem_shared>>
      tpu.wait_dma2 semaphore(%run_scoped3A : memref<!tpu.dma_semaphore, #tpu.memory_space<semaphore_mem>>) src(%arg5 : memref<10240xf32, #tpu.memory_space<vmem>>) dst(%dma_wait3A_48 : memref<10240xf32, #tpu.memory_space<vmem_shared>>)
      tpu.yield
    }) : () -> ()
    %barrier3A = arith.constant 0 : index
    tpu.barrier barrier_id(%barrier3A)
    %mul3A_27 = arith.constant 640 : i32
    %mul3A_28 = arith.muli %arg1, %mul3A_27 : i32
    "tpu.region"() ({
      %run_scoped3A = tpu.sem_alloc : memref<!tpu.dma_semaphore, #tpu.memory_space<semaphore_mem>>
      %dma_start3A_37 = arith.constant 0 : i32
      %dma_start3A_38 = tpu.memref_slice %arg8[%dma_start3A_37, %mul3A_28] : memref<16x10240xf32, #tpu.memory_space<vmem_shared>> -> memref<16x640xf32, #tpu.memory_space<vmem_shared>>
      %dma_start3A_39 = arith.constant 0 : i32
      %dma_start3A_40 = tpu.memref_slice %arg8[%dma_start3A_39, %mul3A_28] : memref<16x10240xf32, #tpu.memory_space<vmem_shared>> -> memref<16x640xf32, #tpu.memory_space<vmem_shared>>
      tpu.enqueue_dma source(%dma_start3A_40 : memref<16x640xf32, #tpu.memory_space<vmem_shared>>) target(%arg6 : memref<16x640xf32, #tpu.memory_space<vmem>>) target_semaphore(%run_scoped3A : memref<!tpu.dma_semaphore, #tpu.memory_space<semaphore_mem>>)
      %dma_wait3A_41 = arith.constant 0 : i32
      %dma_wait3A_42 = tpu.memref_slice %arg8[%dma_wait3A_41, %mul3A_28] : memref<16x10240xf32, #tpu.memory_space<vmem_shared>> -> memref<16x640xf32, #tpu.memory_space<vmem_shared>>
      %dma_wait3A_43 = arith.constant 0 : i32
      %dma_wait3A_44 = tpu.memref_slice %arg8[%dma_wait3A_43, %mul3A_28] : memref<16x10240xf32, #tpu.memory_space<vmem_shared>> -> memref<16x640xf32, #tpu.memory_space<vmem_shared>>
      tpu.wait_dma2 semaphore(%run_scoped3A : memref<!tpu.dma_semaphore, #tpu.memory_space<semaphore_mem>>) src(%dma_wait3A_44 : memref<16x640xf32, #tpu.memory_space<vmem_shared>>) dst(%arg6 : memref<16x640xf32, #tpu.memory_space<vmem>>)
      tpu.yield
    }) : () -> ()
    %scan3A_29 = arith.constant 0 : i32
    %scan3A_30 = arith.constant 0 : i32
    %scan3A_31 = arith.constant 40 : i32
    %scan3A_32 = arith.addi %scan3A_30, %scan3A_31 : i32
    %scan3A_33 = arith.constant 1 : i32
    scf.for %scan3A_37 = %scan3A_30 to %scan3A_32 step %scan3A_33  : i32 {
      %broadcast_in_dim3A_38 = arith.constant 0.000000e+00 : f32
      %broadcast_in_dim3A_39 = vector.broadcast %broadcast_in_dim3A_38 : f32 to vector<16xf32>
      %mul3A_40 = arith.constant 16 : i32
      %mul3A_41 = arith.muli %scan3A_37, %mul3A_40 : i32
      %get3A = arith.constant 0 : i32
      %get3A_42 = arith.index_cast %get3A : i32 to index
      %get3A_43 = arith.index_cast %mul3A_41 : i32 to index
      %get3A_44 = tpu.vector_load %arg6[%get3A_42, %get3A_43] {strides = array<i32>} : memref<16x640xf32, #tpu.memory_space<vmem>>, vector<16xf32>,
      %add3A_45 = arith.addf %broadcast_in_dim3A_39, %get3A_44 : vector<16xf32>
      %mul3A_46 = arith.constant 16 : i32
      %mul3A_47 = arith.muli %scan3A_37, %mul3A_46 : i32
      %get3A_48 = arith.constant 1 : i32
      %get3A_49 = arith.index_cast %get3A_48 : i32 to index
      %get3A_50 = arith.index_cast %mul3A_47 : i32 to index
      %get3A_51 = tpu.vector_load %arg6[%get3A_49, %get3A_50] {strides = array<i32>} : memref<16x640xf32, #tpu.memory_space<vmem>>, vector<16xf32>,
      %add3A_52 = arith.addf %add3A_45, %get3A_51 : vector<16xf32>
      %mul3A_53 = arith.constant 16 : i32
      %mul3A_54 = arith.muli %scan3A_37, %mul3A_53 : i32
      %get3A_55 = arith.constant 2 : i32
      %get3A_56 = arith.index_cast %get3A_55 : i32 to index
      %get3A_57 = arith.index_cast %mul3A_54 : i32 to index
      %get3A_58 = tpu.vector_load %arg6[%get3A_56, %get3A_57] {strides = array<i32>} : memref<16x640xf32, #tpu.memory_space<vmem>>, vector<16xf32>,
      %add3A_59 = arith.addf %add3A_52, %get3A_58 : vector<16xf32>
      %mul3A_60 = arith.constant 16 : i32
      %mul3A_61 = arith.muli %scan3A_37, %mul3A_60 : i32
      %get3A_62 = arith.constant 3 : i32
      %get3A_63 = arith.index_cast %get3A_62 : i32 to index
      %get3A_64 = arith.index_cast %mul3A_61 : i32 to index
      %get3A_65 = tpu.vector_load %arg6[%get3A_63, %get3A_64] {strides = array<i32>} : memref<16x640xf32, #tpu.memory_space<vmem>>, vector<16xf32>,
      %add3A_66 = arith.addf %add3A_59, %get3A_65 : vector<16xf32>
      %mul3A_67 = arith.constant 16 : i32
      %mul3A_68 = arith.muli %scan3A_37, %mul3A_67 : i32
      %get3A_69 = arith.constant 4 : i32
      %get3A_70 = arith.index_cast %get3A_69 : i32 to index
      %get3A_71 = arith.index_cast %mul3A_68 : i32 to index
      %get3A_72 = tpu.vector_load %arg6[%get3A_70, %get3A_71] {strides = array<i32>} : memref<16x640xf32, #tpu.memory_space<vmem>>, vector<16xf32>,
      %add3A_73 = arith.addf %add3A_66, %get3A_72 : vector<16xf32>
      %mul3A_74 = arith.constant 16 : i32
      %mul3A_75 = arith.muli %scan3A_37, %mul3A_74 : i32
      %get3A_76 = arith.constant 5 : i32
      %get3A_77 = arith.index_cast %get3A_76 : i32 to index
      %get3A_78 = arith.index_cast %mul3A_75 : i32 to index
      %get3A_79 = tpu.vector_load %arg6[%get3A_77, %get3A_78] {strides = array<i32>} : memref<16x640xf32, #tpu.memory_space<vmem>>, vector<16xf32>,
      %add3A_80 = arith.addf %add3A_73, %get3A_79 : vector<16xf32>
      %mul3A_81 = arith.constant 16 : i32
      %mul3A_82 = arith.muli %scan3A_37, %mul3A_81 : i32
      %get3A_83 = arith.constant 6 : i32
      %get3A_84 = arith.index_cast %get3A_83 : i32 to index
      %get3A_85 = arith.index_cast %mul3A_82 : i32 to index
      %get3A_86 = tpu.vector_load %arg6[%get3A_84, %get3A_85] {strides = array<i32>} : memref<16x640xf32, #tpu.memory_space<vmem>>, vector<16xf32>,
      %add3A_87 = arith.addf %add3A_80, %get3A_86 : vector<16xf32>
      %mul3A_88 = arith.constant 16 : i32
      %mul3A_89 = arith.muli %scan3A_37, %mul3A_88 : i32
      %get3A_90 = arith.constant 7 : i32
      %get3A_91 = arith.index_cast %get3A_90 : i32 to index
      %get3A_92 = arith.index_cast %mul3A_89 : i32 to index
      %get3A_93 = tpu.vector_load %arg6[%get3A_91, %get3A_92] {strides = array<i32>} : memref<16x640xf32, #tpu.memory_space<vmem>>, vector<16xf32>,
      %add3A_94 = arith.addf %add3A_87, %get3A_93 : vector<16xf32>
      %mul3A_95 = arith.constant 16 : i32
      %mul3A_96 = arith.muli %scan3A_37, %mul3A_95 : i32
      %get3A_97 = arith.constant 8 : i32
      %get3A_98 = arith.index_cast %get3A_97 : i32 to index
      %get3A_99 = arith.index_cast %mul3A_96 : i32 to index
      %get3A_100 = tpu.vector_load %arg6[%get3A_98, %get3A_99] {strides = array<i32>} : memref<16x640xf32, #tpu.memory_space<vmem>>, vector<16xf32>,
      %add3A_101 = arith.addf %add3A_94, %get3A_100 : vector<16xf32>
      %mul3A_102 = arith.constant 16 : i32
      %mul3A_103 = arith.muli %scan3A_37, %mul3A_102 : i32
      %get3A_104 = arith.constant 9 : i32
      %get3A_105 = arith.index_cast %get3A_104 : i32 to index
      %get3A_106 = arith.index_cast %mul3A_103 : i32 to index
      %get3A_107 = tpu.vector_load %arg6[%get3A_105, %get3A_106] {strides = array<i32>} : memref<16x640xf32, #tpu.memory_space<vmem>>, vector<16xf32>,
      %add3A_108 = arith.addf %add3A_101, %get3A_107 : vector<16xf32>
      %mul3A_109 = arith.constant 16 : i32
      %mul3A_110 = arith.muli %scan3A_37, %mul3A_109 : i32
      %get3A_111 = arith.constant 10 : i32
      %get3A_112 = arith.index_cast %get3A_111 : i32 to index
      %get3A_113 = arith.index_cast %mul3A_110 : i32 to index
      %get3A_114 = tpu.vector_load %arg6[%get3A_112, %get3A_113] {strides = array<i32>} : memref<16x640xf32, #tpu.memory_space<vmem>>, vector<16xf32>,
      %add3A_115 = arith.addf %add3A_108, %get3A_114 : vector<16xf32>
      %mul3A_116 = arith.constant 16 : i32
      %mul3A_117 = arith.muli %scan3A_37, %mul3A_116 : i32
      %get3A_118 = arith.constant 11 : i32
      %get3A_119 = arith.index_cast %get3A_118 : i32 to index
      %get3A_120 = arith.index_cast %mul3A_117 : i32 to index
      %get3A_121 = tpu.vector_load %arg6[%get3A_119, %get3A_120] {strides = array<i32>} : memref<16x640xf32, #tpu.memory_space<vmem>>, vector<16xf32>,
      %add3A_122 = arith.addf %add3A_115, %get3A_121 : vector<16xf32>
      %mul3A_123 = arith.constant 16 : i32
      %mul3A_124 = arith.muli %scan3A_37, %mul3A_123 : i32
      %get3A_125 = arith.constant 12 : i32
      %get3A_126 = arith.index_cast %get3A_125 : i32 to index
      %get3A_127 = arith.index_cast %mul3A_124 : i32 to index
      %get3A_128 = tpu.vector_load %arg6[%get3A_126, %get3A_127] {strides = array<i32>} : memref<16x640xf32, #tpu.memory_space<vmem>>, vector<16xf32>,
      %add3A_129 = arith.addf %add3A_122, %get3A_128 : vector<16xf32>
      %mul3A_130 = arith.constant 16 : i32
      %mul3A_131 = arith.muli %scan3A_37, %mul3A_130 : i32
      %get3A_132 = arith.constant 13 : i32
      %get3A_133 = arith.index_cast %get3A_132 : i32 to index
      %get3A_134 = arith.index_cast %mul3A_131 : i32 to index
      %get3A_135 = tpu.vector_load %arg6[%get3A_133, %get3A_134] {strides = array<i32>} : memref<16x640xf32, #tpu.memory_space<vmem>>, vector<16xf32>,
      %add3A_136 = arith.addf %add3A_129, %get3A_135 : vector<16xf32>
      %mul3A_137 = arith.constant 16 : i32
      %mul3A_138 = arith.muli %scan3A_37, %mul3A_137 : i32
      %get3A_139 = arith.constant 14 : i32
      %get3A_140 = arith.index_cast %get3A_139 : i32 to index
      %get3A_141 = arith.index_cast %mul3A_138 : i32 to index
      %get3A_142 = tpu.vector_load %arg6[%get3A_140, %get3A_141] {strides = array<i32>} : memref<16x640xf32, #tpu.memory_space<vmem>>, vector<16xf32>,
      %add3A_143 = arith.addf %add3A_136, %get3A_142 : vector<16xf32>
      %mul3A_144 = arith.constant 16 : i32
      %mul3A_145 = arith.muli %scan3A_37, %mul3A_144 : i32
      %get3A_146 = arith.constant 15 : i32
      %get3A_147 = arith.index_cast %get3A_146 : i32 to index
      %get3A_148 = arith.index_cast %mul3A_145 : i32 to index
      %get3A_149 = tpu.vector_load %arg6[%get3A_147, %get3A_148] {strides = array<i32>} : memref<16x640xf32, #tpu.memory_space<vmem>>, vector<16xf32>,
      %add3A_150 = arith.addf %add3A_143, %get3A_149 : vector<16xf32>
      %mul3A_151 = arith.constant 16 : i32
      %mul3A_152 = arith.muli %scan3A_37, %mul3A_151 : i32
      %swap3A = arith.index_cast %mul3A_152 : i32 to index
      %swap3A_153 = tpu.vector_load %arg7[%swap3A] {strides = array<i32>} : memref<640xf32, #tpu.memory_space<vmem>>, vector<16xf32>,
      tpu.vector_store %arg7[%swap3A], %add3A_150 {strides = array<i32>} : memref<640xf32, #tpu.memory_space<vmem>>, vector<16xf32>,
    }
    %scan3A_34 = arith.constant 40 : i32
    %mul3A_35 = arith.constant 640 : i32
    %mul3A_36 = arith.muli %arg1, %mul3A_35 : i32
    "tpu.region"() ({
      %run_scoped3A = tpu.sem_alloc : memref<!tpu.dma_semaphore, #tpu.memory_space<semaphore_mem>>
      %dma_start3A_37 = tpu.memref_slice %arg3[%arg0, %mul3A_36] : memref<2x10240xf32, #tpu.memory_space<hbm>> -> memref<1x640xf32, #tpu.memory_space<hbm>>
      %dma_start3A_38 = tpu.memref_squeeze %dma_start3A_37 : memref<1x640xf32, #tpu.memory_space<hbm>> -> memref<640xf32, #tpu.memory_space<hbm>>
      %dma_start3A_39 = tpu.memref_slice %arg3[%arg0, %mul3A_36] : memref<2x10240xf32, #tpu.memory_space<hbm>> -> memref<1x640xf32, #tpu.memory_space<hbm>>
      %dma_start3A_40 = tpu.memref_squeeze %dma_start3A_39 : memref<1x640xf32, #tpu.memory_space<hbm>> -> memref<640xf32, #tpu.memory_space<hbm>>
      tpu.enqueue_dma source(%arg7 : memref<640xf32, #tpu.memory_space<vmem>>) target(%dma_start3A_40 : memref<640xf32, #tpu.memory_space<hbm>>) target_semaphore(%run_scoped3A : memref<!tpu.dma_semaphore, #tpu.memory_space<semaphore_mem>>)
      %dma_wait3A_41 = tpu.memref_slice %arg3[%arg0, %mul3A_36] : memref<2x10240xf32, #tpu.memory_space<hbm>> -> memref<1x640xf32, #tpu.memory_space<hbm>>
      %dma_wait3A_42 = tpu.memref_squeeze %dma_wait3A_41 : memref<1x640xf32, #tpu.memory_space<hbm>> -> memref<640xf32, #tpu.memory_space<hbm>>
      %dma_wait3A_43 = tpu.memref_slice %arg3[%arg0, %mul3A_36] : memref<2x10240xf32, #tpu.memory_space<hbm>> -> memref<1x640xf32, #tpu.memory_space<hbm>>
      %dma_wait3A_44 = tpu.memref_squeeze %dma_wait3A_43 : memref<1x640xf32, #tpu.memory_space<hbm>> -> memref<640xf32, #tpu.memory_space<hbm>>
      tpu.wait_dma2 semaphore(%run_scoped3A : memref<!tpu.dma_semaphore, #tpu.memory_space<semaphore_mem>>) src(%arg7 : memref<640xf32, #tpu.memory_space<vmem>>) dst(%dma_wait3A_44 : memref<640xf32, #tpu.memory_space<hbm>>)
      tpu.yield
    }) : () -> ()
    return
  }
}

#map = affine_map<(d0, d1) -> (0, 0)>
#map1 = affine_map<(d0, d1) -> (0, 0, 0)>
module attributes {stable_mosaic.version = 14 : i64} {
  func.func @_agg_body(%arg0: i32, %arg1: i32, %arg2: memref<10240x64xf32, #tpu.memory_space<hbm>>, %arg3: memref<32x81x128xi32, #tpu.memory_space<hbm>>, %arg4: memref<32x81x128xi32, #tpu.memory_space<hbm>>, %arg5: memref<10240x64xf32, #tpu.memory_space<hbm>>, %arg6: memref<2x10240x64xf32, #tpu.memory_space<hbm>>, %arg7: memref<81x128xi32, #tpu.memory_space<vmem>>, %arg8: memref<81x128xi32, #tpu.memory_space<vmem>>, %arg9: memref<128x64xf32, #tpu.memory_space<vmem>>, %arg10: memref<128x64xf32, #tpu.memory_space<vmem>>, %arg11: memref<128x64xf32, #tpu.memory_space<vmem>>, %arg12: memref<10240x64xf32, #tpu.memory_space<vmem_shared>>, %arg13: memref<10240x64xf32, #tpu.memory_space<vmem_shared>>, %arg14: memref<!tpu.dma_semaphore, #tpu.memory_space<semaphore_mem>>, %arg15: memref<!tpu.dma_semaphore, #tpu.memory_space<semaphore_mem>>, %arg16: memref<!tpu.dma_semaphore, #tpu.memory_space<semaphore_mem>>, %arg17: memref<!tpu.dma_semaphore, #tpu.memory_space<semaphore_mem>>, %arg18: memref<!tpu.dma_semaphore, #tpu.memory_space<semaphore_mem>>, %arg19: memref<!tpu.dma_semaphore, #tpu.memory_space<semaphore_mem>>, %arg20: memref<!tpu.dma_semaphore, #tpu.memory_space<semaphore_mem>>) attributes {dimension_semantics = [#tpu.dimension_semantics<core_parallel>, #tpu.dimension_semantics<subcore_parallel>], iteration_bounds = array<i64: 2, 16>, scalar_prefetch = 0 : i64, scratch_operands = 14 : i64, tpu.core_type = #tpu.core_type<sc_vector_subcore>, window_params = [{transform_indices = #map}, {transform_indices = #map1}, {transform_indices = #map1}, {transform_indices = #map}, {transform_indices = #map1}]} {
    %mul3A = arith.constant 16 : i32
    %mul3A_0 = arith.muli %arg0, %mul3A : i32
    %add3A = arith.addi %mul3A_0, %arg1 : i32
    %mul3A_1 = arith.constant 640 : i32
    %mul3A_2 = arith.muli %arg1, %mul3A_1 : i32
    %mul3A_3 = arith.constant 640 : i32
    %mul3A_4 = arith.muli %arg1, %mul3A_3 : i32
    %dma_start3A = arith.constant 0 : i32
    %dma_start3A_5 = tpu.memref_slice %arg13[%mul3A_4, %dma_start3A] : memref<10240x64xf32, #tpu.memory_space<vmem_shared>> -> memref<640x64xf32, #tpu.memory_space<vmem_shared>>
    %dma_start3A_6 = arith.constant 0 : i32
    %dma_start3A_7 = tpu.memref_slice %arg5[%mul3A_2, %dma_start3A_6] : memref<10240x64xf32, #tpu.memory_space<hbm>> -> memref<640x64xf32, #tpu.memory_space<hbm>>
    tpu.enqueue_dma source(%dma_start3A_7 : memref<640x64xf32, #tpu.memory_space<hbm>>) target(%dma_start3A_5 : memref<640x64xf32, #tpu.memory_space<vmem_shared>>) target_semaphore(%arg17 : memref<!tpu.dma_semaphore, #tpu.memory_space<semaphore_mem>>)
    %mul3A_8 = arith.constant 640 : i32
    %mul3A_9 = arith.muli %arg1, %mul3A_8 : i32
    %mul3A_10 = arith.constant 640 : i32
    %mul3A_11 = arith.muli %arg1, %mul3A_10 : i32
    %dma_start3A_12 = arith.constant 0 : i32
    %dma_start3A_13 = tpu.memref_slice %arg12[%mul3A_11, %dma_start3A_12] : memref<10240x64xf32, #tpu.memory_space<vmem_shared>> -> memref<640x64xf32, #tpu.memory_space<vmem_shared>>
    %dma_start3A_14 = arith.constant 0 : i32
    %dma_start3A_15 = tpu.memref_slice %arg2[%mul3A_9, %dma_start3A_14] : memref<10240x64xf32, #tpu.memory_space<hbm>> -> memref<640x64xf32, #tpu.memory_space<hbm>>
    tpu.enqueue_dma source(%dma_start3A_15 : memref<640x64xf32, #tpu.memory_space<hbm>>) target(%dma_start3A_13 : memref<640x64xf32, #tpu.memory_space<vmem_shared>>) target_semaphore(%arg18 : memref<!tpu.dma_semaphore, #tpu.memory_space<semaphore_mem>>)
    %dma_start3A_16 = arith.constant 0 : i32
    %dma_start3A_17 = arith.constant 0 : i32
    %dma_start3A_18 = tpu.memref_slice %arg3[%add3A, %dma_start3A_16, %dma_start3A_17] : memref<32x81x128xi32, #tpu.memory_space<hbm>> -> memref<1x81x128xi32, #tpu.memory_space<hbm>>
    %dma_start3A_19 = tpu.memref_squeeze %dma_start3A_18 : memref<1x81x128xi32, #tpu.memory_space<hbm>> -> memref<81x128xi32, #tpu.memory_space<hbm>>
    %dma_start3A_20 = arith.constant 0 : i32
    %dma_start3A_21 = arith.constant 0 : i32
    %dma_start3A_22 = tpu.memref_slice %arg3[%add3A, %dma_start3A_20, %dma_start3A_21] : memref<32x81x128xi32, #tpu.memory_space<hbm>> -> memref<1x81x128xi32, #tpu.memory_space<hbm>>
    %dma_start3A_23 = tpu.memref_squeeze %dma_start3A_22 : memref<1x81x128xi32, #tpu.memory_space<hbm>> -> memref<81x128xi32, #tpu.memory_space<hbm>>
    tpu.enqueue_dma source(%dma_start3A_23 : memref<81x128xi32, #tpu.memory_space<hbm>>) target(%arg7 : memref<81x128xi32, #tpu.memory_space<vmem>>) target_semaphore(%arg19 : memref<!tpu.dma_semaphore, #tpu.memory_space<semaphore_mem>>)
    %dma_start3A_24 = arith.constant 0 : i32
    %dma_start3A_25 = arith.constant 0 : i32
    %dma_start3A_26 = tpu.memref_slice %arg4[%add3A, %dma_start3A_24, %dma_start3A_25] : memref<32x81x128xi32, #tpu.memory_space<hbm>> -> memref<1x81x128xi32, #tpu.memory_space<hbm>>
    %dma_start3A_27 = tpu.memref_squeeze %dma_start3A_26 : memref<1x81x128xi32, #tpu.memory_space<hbm>> -> memref<81x128xi32, #tpu.memory_space<hbm>>
    %dma_start3A_28 = arith.constant 0 : i32
    %dma_start3A_29 = arith.constant 0 : i32
    %dma_start3A_30 = tpu.memref_slice %arg4[%add3A, %dma_start3A_28, %dma_start3A_29] : memref<32x81x128xi32, #tpu.memory_space<hbm>> -> memref<1x81x128xi32, #tpu.memory_space<hbm>>
    %dma_start3A_31 = tpu.memref_squeeze %dma_start3A_30 : memref<1x81x128xi32, #tpu.memory_space<hbm>> -> memref<81x128xi32, #tpu.memory_space<hbm>>
    tpu.enqueue_dma source(%dma_start3A_31 : memref<81x128xi32, #tpu.memory_space<hbm>>) target(%arg8 : memref<81x128xi32, #tpu.memory_space<vmem>>) target_semaphore(%arg20 : memref<!tpu.dma_semaphore, #tpu.memory_space<semaphore_mem>>)
    %dma_wait3A = arith.constant 0 : i32
    %dma_wait3A_32 = tpu.memref_slice %arg13[%mul3A_4, %dma_wait3A] : memref<10240x64xf32, #tpu.memory_space<vmem_shared>> -> memref<640x64xf32, #tpu.memory_space<vmem_shared>>
    %dma_wait3A_33 = arith.constant 0 : i32
    %dma_wait3A_34 = tpu.memref_slice %arg5[%mul3A_2, %dma_wait3A_33] : memref<10240x64xf32, #tpu.memory_space<hbm>> -> memref<640x64xf32, #tpu.memory_space<hbm>>
    tpu.wait_dma2 semaphore(%arg17 : memref<!tpu.dma_semaphore, #tpu.memory_space<semaphore_mem>>) src(%dma_wait3A_34 : memref<640x64xf32, #tpu.memory_space<hbm>>) dst(%dma_wait3A_32 : memref<640x64xf32, #tpu.memory_space<vmem_shared>>)
    %dma_wait3A_35 = arith.constant 0 : i32
    %dma_wait3A_36 = tpu.memref_slice %arg12[%mul3A_11, %dma_wait3A_35] : memref<10240x64xf32, #tpu.memory_space<vmem_shared>> -> memref<640x64xf32, #tpu.memory_space<vmem_shared>>
    %dma_wait3A_37 = arith.constant 0 : i32
    %dma_wait3A_38 = tpu.memref_slice %arg2[%mul3A_9, %dma_wait3A_37] : memref<10240x64xf32, #tpu.memory_space<hbm>> -> memref<640x64xf32, #tpu.memory_space<hbm>>
    tpu.wait_dma2 semaphore(%arg18 : memref<!tpu.dma_semaphore, #tpu.memory_space<semaphore_mem>>) src(%dma_wait3A_38 : memref<640x64xf32, #tpu.memory_space<hbm>>) dst(%dma_wait3A_36 : memref<640x64xf32, #tpu.memory_space<vmem_shared>>)
    %dma_wait3A_39 = arith.constant 0 : i32
    %dma_wait3A_40 = arith.constant 0 : i32
    %dma_wait3A_41 = tpu.memref_slice %arg3[%add3A, %dma_wait3A_39, %dma_wait3A_40] : memref<32x81x128xi32, #tpu.memory_space<hbm>> -> memref<1x81x128xi32, #tpu.memory_space<hbm>>
    %dma_wait3A_42 = tpu.memref_squeeze %dma_wait3A_41 : memref<1x81x128xi32, #tpu.memory_space<hbm>> -> memref<81x128xi32, #tpu.memory_space<hbm>>
    %dma_wait3A_43 = arith.constant 0 : i32
    %dma_wait3A_44 = arith.constant 0 : i32
    %dma_wait3A_45 = tpu.memref_slice %arg3[%add3A, %dma_wait3A_43, %dma_wait3A_44] : memref<32x81x128xi32, #tpu.memory_space<hbm>> -> memref<1x81x128xi32, #tpu.memory_space<hbm>>
    %dma_wait3A_46 = tpu.memref_squeeze %dma_wait3A_45 : memref<1x81x128xi32, #tpu.memory_space<hbm>> -> memref<81x128xi32, #tpu.memory_space<hbm>>
    tpu.wait_dma2 semaphore(%arg19 : memref<!tpu.dma_semaphore, #tpu.memory_space<semaphore_mem>>) src(%dma_wait3A_46 : memref<81x128xi32, #tpu.memory_space<hbm>>) dst(%arg7 : memref<81x128xi32, #tpu.memory_space<vmem>>)
    %dma_wait3A_47 = arith.constant 0 : i32
    %dma_wait3A_48 = arith.constant 0 : i32
    %dma_wait3A_49 = tpu.memref_slice %arg4[%add3A, %dma_wait3A_47, %dma_wait3A_48] : memref<32x81x128xi32, #tpu.memory_space<hbm>> -> memref<1x81x128xi32, #tpu.memory_space<hbm>>
    %dma_wait3A_50 = tpu.memref_squeeze %dma_wait3A_49 : memref<1x81x128xi32, #tpu.memory_space<hbm>> -> memref<81x128xi32, #tpu.memory_space<hbm>>
    %dma_wait3A_51 = arith.constant 0 : i32
    %dma_wait3A_52 = arith.constant 0 : i32
    %dma_wait3A_53 = tpu.memref_slice %arg4[%add3A, %dma_wait3A_51, %dma_wait3A_52] : memref<32x81x128xi32, #tpu.memory_space<hbm>> -> memref<1x81x128xi32, #tpu.memory_space<hbm>>
    %dma_wait3A_54 = tpu.memref_squeeze %dma_wait3A_53 : memref<1x81x128xi32, #tpu.memory_space<hbm>> -> memref<81x128xi32, #tpu.memory_space<hbm>>
    tpu.wait_dma2 semaphore(%arg20 : memref<!tpu.dma_semaphore, #tpu.memory_space<semaphore_mem>>) src(%dma_wait3A_54 : memref<81x128xi32, #tpu.memory_space<hbm>>) dst(%arg8 : memref<81x128xi32, #tpu.memory_space<vmem>>)
    %barrier3A = arith.constant 0 : index
    tpu.barrier barrier_id(%barrier3A)
    %dma_start3A_55 = arith.constant 0 : i32
    %dma_start3A_56 = arith.constant 0 : i32
    %dma_start3A_57 = tpu.memref_slice %arg7[%dma_start3A_55, %dma_start3A_56] : memref<81x128xi32, #tpu.memory_space<vmem>> -> memref<1x128xi32, #tpu.memory_space<vmem>>
    %dma_start3A_58 = tpu.memref_squeeze %dma_start3A_57 : memref<1x128xi32, #tpu.memory_space<vmem>> -> memref<128xi32, #tpu.memory_space<vmem>>
    %dma_start3A_59 = arith.constant 0 : i32
    %dma_start3A_60 = arith.constant 0 : i32
    %dma_start3A_61 = tpu.memref_slice %arg12[%dma_start3A_59, %dma_start3A_60] : memref<10240x64xf32, #tpu.memory_space<vmem_shared>> -> memref<10240x64xf32, #tpu.memory_space<vmem_shared>>
    tpu.enqueue_indirect_dma source(%dma_start3A_61 : memref<10240x64xf32, #tpu.memory_space<vmem_shared>>) target(%arg9 : memref<128x64xf32, #tpu.memory_space<vmem>>) offsets(%dma_start3A_58 : memref<128xi32, #tpu.memory_space<vmem>>) semaphore(%arg14 : memref<!tpu.dma_semaphore, #tpu.memory_space<semaphore_mem>>)
    %dma_start3A_62 = arith.constant 1 : i32
    %dma_start3A_63 = arith.constant 0 : i32
    %dma_start3A_64 = tpu.memref_slice %arg7[%dma_start3A_62, %dma_start3A_63] : memref<81x128xi32, #tpu.memory_space<vmem>> -> memref<1x128xi32, #tpu.memory_space<vmem>>
    %dma_start3A_65 = tpu.memref_squeeze %dma_start3A_64 : memref<1x128xi32, #tpu.memory_space<vmem>> -> memref<128xi32, #tpu.memory_space<vmem>>
    %dma_start3A_66 = arith.constant 0 : i32
    %dma_start3A_67 = arith.constant 0 : i32
    %dma_start3A_68 = tpu.memref_slice %arg12[%dma_start3A_66, %dma_start3A_67] : memref<10240x64xf32, #tpu.memory_space<vmem_shared>> -> memref<10240x64xf32, #tpu.memory_space<vmem_shared>>
    tpu.enqueue_indirect_dma source(%dma_start3A_68 : memref<10240x64xf32, #tpu.memory_space<vmem_shared>>) target(%arg10 : memref<128x64xf32, #tpu.memory_space<vmem>>) offsets(%dma_start3A_65 : memref<128xi32, #tpu.memory_space<vmem>>) semaphore(%arg15 : memref<!tpu.dma_semaphore, #tpu.memory_space<semaphore_mem>>)
    %dma_start3A_69 = arith.constant 2 : i32
    %dma_start3A_70 = arith.constant 0 : i32
    %dma_start3A_71 = tpu.memref_slice %arg7[%dma_start3A_69, %dma_start3A_70] : memref<81x128xi32, #tpu.memory_space<vmem>> -> memref<1x128xi32, #tpu.memory_space<vmem>>
    %dma_start3A_72 = tpu.memref_squeeze %dma_start3A_71 : memref<1x128xi32, #tpu.memory_space<vmem>> -> memref<128xi32, #tpu.memory_space<vmem>>
    %dma_start3A_73 = arith.constant 0 : i32
    %dma_start3A_74 = arith.constant 0 : i32
    %dma_start3A_75 = tpu.memref_slice %arg12[%dma_start3A_73, %dma_start3A_74] : memref<10240x64xf32, #tpu.memory_space<vmem_shared>> -> memref<10240x64xf32, #tpu.memory_space<vmem_shared>>
    tpu.enqueue_indirect_dma source(%dma_start3A_75 : memref<10240x64xf32, #tpu.memory_space<vmem_shared>>) target(%arg11 : memref<128x64xf32, #tpu.memory_space<vmem>>) offsets(%dma_start3A_72 : memref<128xi32, #tpu.memory_space<vmem>>) semaphore(%arg16 : memref<!tpu.dma_semaphore, #tpu.memory_space<semaphore_mem>>)
    %scan3A = arith.constant 0 : i32
    %scan3A_76 = arith.constant 0 : i32
    %scan3A_77 = arith.constant 27 : i32
    %scan3A_78 = arith.addi %scan3A_76, %scan3A_77 : i32
    %scan3A_79 = arith.constant 1 : i32
    scf.for %scan3A_86 = %scan3A_76 to %scan3A_78 step %scan3A_79  : i32 {
      %mul3A_87 = arith.constant 3 : i32
      %mul3A_88 = arith.muli %scan3A_86, %mul3A_87 : i32
      %dma_wait3A_89 = arith.constant 0 : i32
      %dma_wait3A_90 = arith.constant 0 : i32
      %dma_wait3A_91 = tpu.memref_slice %arg7[%dma_wait3A_89, %dma_wait3A_90] : memref<81x128xi32, #tpu.memory_space<vmem>> -> memref<1x128xi32, #tpu.memory_space<vmem>>
      %dma_wait3A_92 = tpu.memref_squeeze %dma_wait3A_91 : memref<1x128xi32, #tpu.memory_space<vmem>> -> memref<128xi32, #tpu.memory_space<vmem>>
      %dma_wait3A_93 = arith.constant 0 : i32
      %dma_wait3A_94 = arith.constant 0 : i32
      %dma_wait3A_95 = tpu.memref_slice %arg12[%dma_wait3A_93, %dma_wait3A_94] : memref<10240x64xf32, #tpu.memory_space<vmem_shared>> -> memref<10240x64xf32, #tpu.memory_space<vmem_shared>>
      tpu.wait_indirect_dma semaphore(%arg14 : memref<!tpu.dma_semaphore, #tpu.memory_space<semaphore_mem>>) src(%dma_wait3A_95 : memref<10240x64xf32, #tpu.memory_space<vmem_shared>>) dst(%arg9 : memref<128x64xf32, #tpu.memory_space<vmem>>)
      %add3A_96 = arith.constant 0 : i32
      %add3A_97 = arith.addi %mul3A_88, %add3A_96 : i32
      "tpu.region"() ({
        %run_scoped3A = tpu.sem_alloc : memref<!tpu.dma_semaphore, #tpu.memory_space<semaphore_mem>>
        %dma_start3A_128 = arith.constant 0 : i32
        %dma_start3A_129 = tpu.memref_slice %arg8[%add3A_97, %dma_start3A_128] : memref<81x128xi32, #tpu.memory_space<vmem>> -> memref<1x128xi32, #tpu.memory_space<vmem>>
        %dma_start3A_130 = tpu.memref_squeeze %dma_start3A_129 : memref<1x128xi32, #tpu.memory_space<vmem>> -> memref<128xi32, #tpu.memory_space<vmem>>
        %dma_start3A_131 = arith.constant 0 : i32
        %dma_start3A_132 = arith.constant 0 : i32
        %dma_start3A_133 = tpu.memref_slice %arg13[%dma_start3A_131, %dma_start3A_132] : memref<10240x64xf32, #tpu.memory_space<vmem_shared>> -> memref<10240x64xf32, #tpu.memory_space<vmem_shared>>
        tpu.enqueue_indirect_dma source(%arg9 : memref<128x64xf32, #tpu.memory_space<vmem>>) target(%dma_start3A_133 : memref<10240x64xf32, #tpu.memory_space<vmem_shared>>) offsets(%dma_start3A_130 : memref<128xi32, #tpu.memory_space<vmem>>) semaphore(%run_scoped3A : memref<!tpu.dma_semaphore, #tpu.memory_space<semaphore_mem>>) {add = true}
        %dma_wait3A_134 = arith.constant 0 : i32
        %dma_wait3A_135 = tpu.memref_slice %arg8[%add3A_97, %dma_wait3A_134] : memref<81x128xi32, #tpu.memory_space<vmem>> -> memref<1x128xi32, #tpu.memory_space<vmem>>
        %dma_wait3A_136 = tpu.memref_squeeze %dma_wait3A_135 : memref<1x128xi32, #tpu.memory_space<vmem>> -> memref<128xi32, #tpu.memory_space<vmem>>
        %dma_wait3A_137 = arith.constant 0 : i32
        %dma_wait3A_138 = arith.constant 0 : i32
        %dma_wait3A_139 = tpu.memref_slice %arg13[%dma_wait3A_137, %dma_wait3A_138] : memref<10240x64xf32, #tpu.memory_space<vmem_shared>> -> memref<10240x64xf32, #tpu.memory_space<vmem_shared>>
        tpu.wait_indirect_dma semaphore(%run_scoped3A : memref<!tpu.dma_semaphore, #tpu.memory_space<semaphore_mem>>) src(%arg9 : memref<128x64xf32, #tpu.memory_space<vmem>>) dst(%dma_wait3A_139 : memref<10240x64xf32, #tpu.memory_space<vmem_shared>>)
        tpu.yield
      }) : () -> ()
      %lt3A = arith.constant 26 : i32
      %lt3A_98 = arith.cmpi slt, %scan3A_86, %lt3A : i32
      %convert_element_type3A = arith.extui %lt3A_98 : i1 to i32
      %cond3A = arith.constant 0 : i32
      %cond3A_99 = arith.cmpi ne, %convert_element_type3A, %cond3A : i32
      scf.if %cond3A_99 {
        %add3A_128 = arith.constant 3 : i32
        %add3A_129 = arith.addi %mul3A_88, %add3A_128 : i32
        %add3A_130 = arith.constant 0 : i32
        %add3A_131 = arith.addi %add3A_129, %add3A_130 : i32
        %dma_start3A_132 = arith.constant 0 : i32
        %dma_start3A_133 = tpu.memref_slice %arg7[%add3A_131, %dma_start3A_132] : memref<81x128xi32, #tpu.memory_space<vmem>> -> memref<1x128xi32, #tpu.memory_space<vmem>>
        %dma_start3A_134 = tpu.memref_squeeze %dma_start3A_133 : memref<1x128xi32, #tpu.memory_space<vmem>> -> memref<128xi32, #tpu.memory_space<vmem>>
        %dma_start3A_135 = arith.constant 0 : i32
        %dma_start3A_136 = arith.constant 0 : i32
        %dma_start3A_137 = tpu.memref_slice %arg12[%dma_start3A_135, %dma_start3A_136] : memref<10240x64xf32, #tpu.memory_space<vmem_shared>> -> memref<10240x64xf32, #tpu.memory_space<vmem_shared>>
        tpu.enqueue_indirect_dma source(%dma_start3A_137 : memref<10240x64xf32, #tpu.memory_space<vmem_shared>>) target(%arg9 : memref<128x64xf32, #tpu.memory_space<vmem>>) offsets(%dma_start3A_134 : memref<128xi32, #tpu.memory_space<vmem>>) semaphore(%arg14 : memref<!tpu.dma_semaphore, #tpu.memory_space<semaphore_mem>>)
      } else {
      }
      %dma_wait3A_100 = arith.constant 0 : i32
      %dma_wait3A_101 = arith.constant 0 : i32
      %dma_wait3A_102 = tpu.memref_slice %arg7[%dma_wait3A_100, %dma_wait3A_101] : memref<81x128xi32, #tpu.memory_space<vmem>> -> memref<1x128xi32, #tpu.memory_space<vmem>>
      %dma_wait3A_103 = tpu.memref_squeeze %dma_wait3A_102 : memref<1x128xi32, #tpu.memory_space<vmem>> -> memref<128xi32, #tpu.memory_space<vmem>>
      %dma_wait3A_104 = arith.constant 0 : i32
      %dma_wait3A_105 = arith.constant 0 : i32
      %dma_wait3A_106 = tpu.memref_slice %arg12[%dma_wait3A_104, %dma_wait3A_105] : memref<10240x64xf32, #tpu.memory_space<vmem_shared>> -> memref<10240x64xf32, #tpu.memory_space<vmem_shared>>
      tpu.wait_indirect_dma semaphore(%arg15 : memref<!tpu.dma_semaphore, #tpu.memory_space<semaphore_mem>>) src(%dma_wait3A_106 : memref<10240x64xf32, #tpu.memory_space<vmem_shared>>) dst(%arg10 : memref<128x64xf32, #tpu.memory_space<vmem>>)
      %add3A_107 = arith.constant 1 : i32
      %add3A_108 = arith.addi %mul3A_88, %add3A_107 : i32
      "tpu.region"() ({
        %run_scoped3A = tpu.sem_alloc : memref<!tpu.dma_semaphore, #tpu.memory_space<semaphore_mem>>
        %dma_start3A_128 = arith.constant 0 : i32
        %dma_start3A_129 = tpu.memref_slice %arg8[%add3A_108, %dma_start3A_128] : memref<81x128xi32, #tpu.memory_space<vmem>> -> memref<1x128xi32, #tpu.memory_space<vmem>>
        %dma_start3A_130 = tpu.memref_squeeze %dma_start3A_129 : memref<1x128xi32, #tpu.memory_space<vmem>> -> memref<128xi32, #tpu.memory_space<vmem>>
        %dma_start3A_131 = arith.constant 0 : i32
        %dma_start3A_132 = arith.constant 0 : i32
        %dma_start3A_133 = tpu.memref_slice %arg13[%dma_start3A_131, %dma_start3A_132] : memref<10240x64xf32, #tpu.memory_space<vmem_shared>> -> memref<10240x64xf32, #tpu.memory_space<vmem_shared>>
        tpu.enqueue_indirect_dma source(%arg10 : memref<128x64xf32, #tpu.memory_space<vmem>>) target(%dma_start3A_133 : memref<10240x64xf32, #tpu.memory_space<vmem_shared>>) offsets(%dma_start3A_130 : memref<128xi32, #tpu.memory_space<vmem>>) semaphore(%run_scoped3A : memref<!tpu.dma_semaphore, #tpu.memory_space<semaphore_mem>>) {add = true}
        %dma_wait3A_134 = arith.constant 0 : i32
        %dma_wait3A_135 = tpu.memref_slice %arg8[%add3A_108, %dma_wait3A_134] : memref<81x128xi32, #tpu.memory_space<vmem>> -> memref<1x128xi32, #tpu.memory_space<vmem>>
        %dma_wait3A_136 = tpu.memref_squeeze %dma_wait3A_135 : memref<1x128xi32, #tpu.memory_space<vmem>> -> memref<128xi32, #tpu.memory_space<vmem>>
        %dma_wait3A_137 = arith.constant 0 : i32
        %dma_wait3A_138 = arith.constant 0 : i32
        %dma_wait3A_139 = tpu.memref_slice %arg13[%dma_wait3A_137, %dma_wait3A_138] : memref<10240x64xf32, #tpu.memory_space<vmem_shared>> -> memref<10240x64xf32, #tpu.memory_space<vmem_shared>>
        tpu.wait_indirect_dma semaphore(%run_scoped3A : memref<!tpu.dma_semaphore, #tpu.memory_space<semaphore_mem>>) src(%arg10 : memref<128x64xf32, #tpu.memory_space<vmem>>) dst(%dma_wait3A_139 : memref<10240x64xf32, #tpu.memory_space<vmem_shared>>)
        tpu.yield
      }) : () -> ()
      %lt3A_109 = arith.constant 26 : i32
      %lt3A_110 = arith.cmpi slt, %scan3A_86, %lt3A_109 : i32
      %convert_element_type3A_111 = arith.extui %lt3A_110 : i1 to i32
      %cond3A_112 = arith.constant 0 : i32
      %cond3A_113 = arith.cmpi ne, %convert_element_type3A_111, %cond3A_112 : i32
      scf.if %cond3A_113 {
        %add3A_128 = arith.constant 3 : i32
        %add3A_129 = arith.addi %mul3A_88, %add3A_128 : i32
        %add3A_130 = arith.constant 1 : i32
        %add3A_131 = arith.addi %add3A_129, %add3A_130 : i32
        %dma_start3A_132 = arith.constant 0 : i32
        %dma_start3A_133 = tpu.memref_slice %arg7[%add3A_131, %dma_start3A_132] : memref<81x128xi32, #tpu.memory_space<vmem>> -> memref<1x128xi32, #tpu.memory_space<vmem>>
        %dma_start3A_134 = tpu.memref_squeeze %dma_start3A_133 : memref<1x128xi32, #tpu.memory_space<vmem>> -> memref<128xi32, #tpu.memory_space<vmem>>
        %dma_start3A_135 = arith.constant 0 : i32
        %dma_start3A_136 = arith.constant 0 : i32
        %dma_start3A_137 = tpu.memref_slice %arg12[%dma_start3A_135, %dma_start3A_136] : memref<10240x64xf32, #tpu.memory_space<vmem_shared>> -> memref<10240x64xf32, #tpu.memory_space<vmem_shared>>
        tpu.enqueue_indirect_dma source(%dma_start3A_137 : memref<10240x64xf32, #tpu.memory_space<vmem_shared>>) target(%arg10 : memref<128x64xf32, #tpu.memory_space<vmem>>) offsets(%dma_start3A_134 : memref<128xi32, #tpu.memory_space<vmem>>) semaphore(%arg15 : memref<!tpu.dma_semaphore, #tpu.memory_space<semaphore_mem>>)
      } else {
      }
      %dma_wait3A_114 = arith.constant 0 : i32
      %dma_wait3A_115 = arith.constant 0 : i32
      %dma_wait3A_116 = tpu.memref_slice %arg7[%dma_wait3A_114, %dma_wait3A_115] : memref<81x128xi32, #tpu.memory_space<vmem>> -> memref<1x128xi32, #tpu.memory_space<vmem>>
      %dma_wait3A_117 = tpu.memref_squeeze %dma_wait3A_116 : memref<1x128xi32, #tpu.memory_space<vmem>> -> memref<128xi32, #tpu.memory_space<vmem>>
      %dma_wait3A_118 = arith.constant 0 : i32
      %dma_wait3A_119 = arith.constant 0 : i32
      %dma_wait3A_120 = tpu.memref_slice %arg12[%dma_wait3A_118, %dma_wait3A_119] : memref<10240x64xf32, #tpu.memory_space<vmem_shared>> -> memref<10240x64xf32, #tpu.memory_space<vmem_shared>>
      tpu.wait_indirect_dma semaphore(%arg16 : memref<!tpu.dma_semaphore, #tpu.memory_space<semaphore_mem>>) src(%dma_wait3A_120 : memref<10240x64xf32, #tpu.memory_space<vmem_shared>>) dst(%arg11 : memref<128x64xf32, #tpu.memory_space<vmem>>)
      %add3A_121 = arith.constant 2 : i32
      %add3A_122 = arith.addi %mul3A_88, %add3A_121 : i32
      "tpu.region"() ({
        %run_scoped3A = tpu.sem_alloc : memref<!tpu.dma_semaphore, #tpu.memory_space<semaphore_mem>>
        %dma_start3A_128 = arith.constant 0 : i32
        %dma_start3A_129 = tpu.memref_slice %arg8[%add3A_122, %dma_start3A_128] : memref<81x128xi32, #tpu.memory_space<vmem>> -> memref<1x128xi32, #tpu.memory_space<vmem>>
        %dma_start3A_130 = tpu.memref_squeeze %dma_start3A_129 : memref<1x128xi32, #tpu.memory_space<vmem>> -> memref<128xi32, #tpu.memory_space<vmem>>
        %dma_start3A_131 = arith.constant 0 : i32
        %dma_start3A_132 = arith.constant 0 : i32
        %dma_start3A_133 = tpu.memref_slice %arg13[%dma_start3A_131, %dma_start3A_132] : memref<10240x64xf32, #tpu.memory_space<vmem_shared>> -> memref<10240x64xf32, #tpu.memory_space<vmem_shared>>
        tpu.enqueue_indirect_dma source(%arg11 : memref<128x64xf32, #tpu.memory_space<vmem>>) target(%dma_start3A_133 : memref<10240x64xf32, #tpu.memory_space<vmem_shared>>) offsets(%dma_start3A_130 : memref<128xi32, #tpu.memory_space<vmem>>) semaphore(%run_scoped3A : memref<!tpu.dma_semaphore, #tpu.memory_space<semaphore_mem>>) {add = true}
        %dma_wait3A_134 = arith.constant 0 : i32
        %dma_wait3A_135 = tpu.memref_slice %arg8[%add3A_122, %dma_wait3A_134] : memref<81x128xi32, #tpu.memory_space<vmem>> -> memref<1x128xi32, #tpu.memory_space<vmem>>
        %dma_wait3A_136 = tpu.memref_squeeze %dma_wait3A_135 : memref<1x128xi32, #tpu.memory_space<vmem>> -> memref<128xi32, #tpu.memory_space<vmem>>
        %dma_wait3A_137 = arith.constant 0 : i32
        %dma_wait3A_138 = arith.constant 0 : i32
        %dma_wait3A_139 = tpu.memref_slice %arg13[%dma_wait3A_137, %dma_wait3A_138] : memref<10240x64xf32, #tpu.memory_space<vmem_shared>> -> memref<10240x64xf32, #tpu.memory_space<vmem_shared>>
        tpu.wait_indirect_dma semaphore(%run_scoped3A : memref<!tpu.dma_semaphore, #tpu.memory_space<semaphore_mem>>) src(%arg11 : memref<128x64xf32, #tpu.memory_space<vmem>>) dst(%dma_wait3A_139 : memref<10240x64xf32, #tpu.memory_space<vmem_shared>>)
        tpu.yield
      }) : () -> ()
      %lt3A_123 = arith.constant 26 : i32
      %lt3A_124 = arith.cmpi slt, %scan3A_86, %lt3A_123 : i32
      %convert_element_type3A_125 = arith.extui %lt3A_124 : i1 to i32
      %cond3A_126 = arith.constant 0 : i32
      %cond3A_127 = arith.cmpi ne, %convert_element_type3A_125, %cond3A_126 : i32
      scf.if %cond3A_127 {
        %add3A_128 = arith.constant 3 : i32
        %add3A_129 = arith.addi %mul3A_88, %add3A_128 : i32
        %add3A_130 = arith.constant 2 : i32
        %add3A_131 = arith.addi %add3A_129, %add3A_130 : i32
        %dma_start3A_132 = arith.constant 0 : i32
        %dma_start3A_133 = tpu.memref_slice %arg7[%add3A_131, %dma_start3A_132] : memref<81x128xi32, #tpu.memory_space<vmem>> -> memref<1x128xi32, #tpu.memory_space<vmem>>
        %dma_start3A_134 = tpu.memref_squeeze %dma_start3A_133 : memref<1x128xi32, #tpu.memory_space<vmem>> -> memref<128xi32, #tpu.memory_space<vmem>>
        %dma_start3A_135 = arith.constant 0 : i32
        %dma_start3A_136 = arith.constant 0 : i32
        %dma_start3A_137 = tpu.memref_slice %arg12[%dma_start3A_135, %dma_start3A_136] : memref<10240x64xf32, #tpu.memory_space<vmem_shared>> -> memref<10240x64xf32, #tpu.memory_space<vmem_shared>>
        tpu.enqueue_indirect_dma source(%dma_start3A_137 : memref<10240x64xf32, #tpu.memory_space<vmem_shared>>) target(%arg11 : memref<128x64xf32, #tpu.memory_space<vmem>>) offsets(%dma_start3A_134 : memref<128xi32, #tpu.memory_space<vmem>>) semaphore(%arg16 : memref<!tpu.dma_semaphore, #tpu.memory_space<semaphore_mem>>)
      } else {
      }
    }
    %scan3A_80 = arith.constant 27 : i32
    %barrier3A_81 = arith.constant 0 : index
    tpu.barrier barrier_id(%barrier3A_81)
    %mul3A_82 = arith.constant 640 : i32
    %mul3A_83 = arith.muli %arg1, %mul3A_82 : i32
    %mul3A_84 = arith.constant 640 : i32
    %mul3A_85 = arith.muli %arg1, %mul3A_84 : i32
    "tpu.region"() ({
      %run_scoped3A = tpu.sem_alloc : memref<!tpu.dma_semaphore, #tpu.memory_space<semaphore_mem>>
      %dma_start3A_86 = arith.constant 0 : i32
      %dma_start3A_87 = tpu.memref_slice %arg6[%arg0, %mul3A_85, %dma_start3A_86] : memref<2x10240x64xf32, #tpu.memory_space<hbm>> -> memref<1x640x64xf32, #tpu.memory_space<hbm>>
      %dma_start3A_88 = tpu.memref_squeeze %dma_start3A_87 : memref<1x640x64xf32, #tpu.memory_space<hbm>> -> memref<640x64xf32, #tpu.memory_space<hbm>>
      %dma_start3A_89 = arith.constant 0 : i32
      %dma_start3A_90 = tpu.memref_slice %arg13[%mul3A_83, %dma_start3A_89] : memref<10240x64xf32, #tpu.memory_space<vmem_shared>> -> memref<640x64xf32, #tpu.memory_space<vmem_shared>>
      tpu.enqueue_dma source(%dma_start3A_90 : memref<640x64xf32, #tpu.memory_space<vmem_shared>>) target(%dma_start3A_88 : memref<640x64xf32, #tpu.memory_space<hbm>>) target_semaphore(%run_scoped3A : memref<!tpu.dma_semaphore, #tpu.memory_space<semaphore_mem>>)
      %dma_wait3A_91 = arith.constant 0 : i32
      %dma_wait3A_92 = tpu.memref_slice %arg6[%arg0, %mul3A_85, %dma_wait3A_91] : memref<2x10240x64xf32, #tpu.memory_space<hbm>> -> memref<1x640x64xf32, #tpu.memory_space<hbm>>
      %dma_wait3A_93 = tpu.memref_squeeze %dma_wait3A_92 : memref<1x640x64xf32, #tpu.memory_space<hbm>> -> memref<640x64xf32, #tpu.memory_space<hbm>>
      %dma_wait3A_94 = arith.constant 0 : i32
      %dma_wait3A_95 = tpu.memref_slice %arg13[%mul3A_83, %dma_wait3A_94] : memref<10240x64xf32, #tpu.memory_space<vmem_shared>> -> memref<640x64xf32, #tpu.memory_space<vmem_shared>>
      tpu.wait_dma2 semaphore(%run_scoped3A : memref<!tpu.dma_semaphore, #tpu.memory_space<semaphore_mem>>) src(%dma_wait3A_95 : memref<640x64xf32, #tpu.memory_space<vmem_shared>>) dst(%dma_wait3A_93 : memref<640x64xf32, #tpu.memory_space<hbm>>)
      tpu.yield
    }) : () -> ()
    return
  }
}

#map = affine_map<(d0, d1) -> (0, 0)>
#map1 = affine_map<(d0, d1) -> (0, 0, 0)>
module attributes {stable_mosaic.version = 14 : i64} {
  func.func @_agg_body(%arg0: i32, %arg1: i32, %arg2: memref<10240x64xf32, #tpu.memory_space<hbm>>, %arg3: memref<32x81x128xi32, #tpu.memory_space<hbm>>, %arg4: memref<32x81x128xi32, #tpu.memory_space<hbm>>, %arg5: memref<10240x64xf32, #tpu.memory_space<hbm>>, %arg6: memref<2x10240x64xf32, #tpu.memory_space<hbm>>, %arg7: memref<81x128xi32, #tpu.memory_space<vmem>>, %arg8: memref<81x128xi32, #tpu.memory_space<vmem>>, %arg9: memref<128x64xf32, #tpu.memory_space<vmem>>, %arg10: memref<128x64xf32, #tpu.memory_space<vmem>>, %arg11: memref<128x64xf32, #tpu.memory_space<vmem>>, %arg12: memref<10240x64xf32, #tpu.memory_space<vmem_shared>>, %arg13: memref<10240x64xf32, #tpu.memory_space<vmem_shared>>, %arg14: memref<!tpu.dma_semaphore, #tpu.memory_space<semaphore_mem>>, %arg15: memref<!tpu.dma_semaphore, #tpu.memory_space<semaphore_mem>>, %arg16: memref<!tpu.dma_semaphore, #tpu.memory_space<semaphore_mem>>, %arg17: memref<!tpu.dma_semaphore, #tpu.memory_space<semaphore_mem>>, %arg18: memref<!tpu.dma_semaphore, #tpu.memory_space<semaphore_mem>>, %arg19: memref<!tpu.dma_semaphore, #tpu.memory_space<semaphore_mem>>, %arg20: memref<!tpu.dma_semaphore, #tpu.memory_space<semaphore_mem>>) attributes {dimension_semantics = [#tpu.dimension_semantics<core_parallel>, #tpu.dimension_semantics<subcore_parallel>], iteration_bounds = array<i64: 2, 16>, scalar_prefetch = 0 : i64, scratch_operands = 14 : i64, tpu.core_type = #tpu.core_type<sc_vector_subcore>, window_params = [{transform_indices = #map}, {transform_indices = #map1}, {transform_indices = #map1}, {transform_indices = #map}, {transform_indices = #map1}]} {
    %mul3A = arith.constant 16 : i32
    %mul3A_0 = arith.muli %arg0, %mul3A : i32
    %add3A = arith.addi %mul3A_0, %arg1 : i32
    %mul3A_1 = arith.constant 640 : i32
    %mul3A_2 = arith.muli %arg1, %mul3A_1 : i32
    %mul3A_3 = arith.constant 640 : i32
    %mul3A_4 = arith.muli %arg1, %mul3A_3 : i32
    %dma_start3A = arith.constant 0 : i32
    %dma_start3A_5 = tpu.memref_slice %arg13[%mul3A_4, %dma_start3A] : memref<10240x64xf32, #tpu.memory_space<vmem_shared>> -> memref<640x64xf32, #tpu.memory_space<vmem_shared>>
    %dma_start3A_6 = arith.constant 0 : i32
    %dma_start3A_7 = tpu.memref_slice %arg5[%mul3A_2, %dma_start3A_6] : memref<10240x64xf32, #tpu.memory_space<hbm>> -> memref<640x64xf32, #tpu.memory_space<hbm>>
    tpu.enqueue_dma source(%dma_start3A_7 : memref<640x64xf32, #tpu.memory_space<hbm>>) target(%dma_start3A_5 : memref<640x64xf32, #tpu.memory_space<vmem_shared>>) target_semaphore(%arg17 : memref<!tpu.dma_semaphore, #tpu.memory_space<semaphore_mem>>)
    %mul3A_8 = arith.constant 640 : i32
    %mul3A_9 = arith.muli %arg1, %mul3A_8 : i32
    %mul3A_10 = arith.constant 640 : i32
    %mul3A_11 = arith.muli %arg1, %mul3A_10 : i32
    %dma_start3A_12 = arith.constant 0 : i32
    %dma_start3A_13 = tpu.memref_slice %arg12[%mul3A_11, %dma_start3A_12] : memref<10240x64xf32, #tpu.memory_space<vmem_shared>> -> memref<640x64xf32, #tpu.memory_space<vmem_shared>>
    %dma_start3A_14 = arith.constant 0 : i32
    %dma_start3A_15 = tpu.memref_slice %arg2[%mul3A_9, %dma_start3A_14] : memref<10240x64xf32, #tpu.memory_space<hbm>> -> memref<640x64xf32, #tpu.memory_space<hbm>>
    tpu.enqueue_dma source(%dma_start3A_15 : memref<640x64xf32, #tpu.memory_space<hbm>>) target(%dma_start3A_13 : memref<640x64xf32, #tpu.memory_space<vmem_shared>>) target_semaphore(%arg18 : memref<!tpu.dma_semaphore, #tpu.memory_space<semaphore_mem>>)
    %dma_start3A_16 = arith.constant 0 : i32
    %dma_start3A_17 = arith.constant 0 : i32
    %dma_start3A_18 = tpu.memref_slice %arg3[%add3A, %dma_start3A_16, %dma_start3A_17] : memref<32x81x128xi32, #tpu.memory_space<hbm>> -> memref<1x81x128xi32, #tpu.memory_space<hbm>>
    %dma_start3A_19 = tpu.memref_squeeze %dma_start3A_18 : memref<1x81x128xi32, #tpu.memory_space<hbm>> -> memref<81x128xi32, #tpu.memory_space<hbm>>
    %dma_start3A_20 = arith.constant 0 : i32
    %dma_start3A_21 = arith.constant 0 : i32
    %dma_start3A_22 = tpu.memref_slice %arg3[%add3A, %dma_start3A_20, %dma_start3A_21] : memref<32x81x128xi32, #tpu.memory_space<hbm>> -> memref<1x81x128xi32, #tpu.memory_space<hbm>>
    %dma_start3A_23 = tpu.memref_squeeze %dma_start3A_22 : memref<1x81x128xi32, #tpu.memory_space<hbm>> -> memref<81x128xi32, #tpu.memory_space<hbm>>
    tpu.enqueue_dma source(%dma_start3A_23 : memref<81x128xi32, #tpu.memory_space<hbm>>) target(%arg7 : memref<81x128xi32, #tpu.memory_space<vmem>>) target_semaphore(%arg19 : memref<!tpu.dma_semaphore, #tpu.memory_space<semaphore_mem>>)
    %dma_start3A_24 = arith.constant 0 : i32
    %dma_start3A_25 = arith.constant 0 : i32
    %dma_start3A_26 = tpu.memref_slice %arg4[%add3A, %dma_start3A_24, %dma_start3A_25] : memref<32x81x128xi32, #tpu.memory_space<hbm>> -> memref<1x81x128xi32, #tpu.memory_space<hbm>>
    %dma_start3A_27 = tpu.memref_squeeze %dma_start3A_26 : memref<1x81x128xi32, #tpu.memory_space<hbm>> -> memref<81x128xi32, #tpu.memory_space<hbm>>
    %dma_start3A_28 = arith.constant 0 : i32
    %dma_start3A_29 = arith.constant 0 : i32
    %dma_start3A_30 = tpu.memref_slice %arg4[%add3A, %dma_start3A_28, %dma_start3A_29] : memref<32x81x128xi32, #tpu.memory_space<hbm>> -> memref<1x81x128xi32, #tpu.memory_space<hbm>>
    %dma_start3A_31 = tpu.memref_squeeze %dma_start3A_30 : memref<1x81x128xi32, #tpu.memory_space<hbm>> -> memref<81x128xi32, #tpu.memory_space<hbm>>
    tpu.enqueue_dma source(%dma_start3A_31 : memref<81x128xi32, #tpu.memory_space<hbm>>) target(%arg8 : memref<81x128xi32, #tpu.memory_space<vmem>>) target_semaphore(%arg20 : memref<!tpu.dma_semaphore, #tpu.memory_space<semaphore_mem>>)
    %dma_wait3A = arith.constant 0 : i32
    %dma_wait3A_32 = tpu.memref_slice %arg13[%mul3A_4, %dma_wait3A] : memref<10240x64xf32, #tpu.memory_space<vmem_shared>> -> memref<640x64xf32, #tpu.memory_space<vmem_shared>>
    %dma_wait3A_33 = arith.constant 0 : i32
    %dma_wait3A_34 = tpu.memref_slice %arg5[%mul3A_2, %dma_wait3A_33] : memref<10240x64xf32, #tpu.memory_space<hbm>> -> memref<640x64xf32, #tpu.memory_space<hbm>>
    tpu.wait_dma2 semaphore(%arg17 : memref<!tpu.dma_semaphore, #tpu.memory_space<semaphore_mem>>) src(%dma_wait3A_34 : memref<640x64xf32, #tpu.memory_space<hbm>>) dst(%dma_wait3A_32 : memref<640x64xf32, #tpu.memory_space<vmem_shared>>)
    %dma_wait3A_35 = arith.constant 0 : i32
    %dma_wait3A_36 = tpu.memref_slice %arg12[%mul3A_11, %dma_wait3A_35] : memref<10240x64xf32, #tpu.memory_space<vmem_shared>> -> memref<640x64xf32, #tpu.memory_space<vmem_shared>>
    %dma_wait3A_37 = arith.constant 0 : i32
    %dma_wait3A_38 = tpu.memref_slice %arg2[%mul3A_9, %dma_wait3A_37] : memref<10240x64xf32, #tpu.memory_space<hbm>> -> memref<640x64xf32, #tpu.memory_space<hbm>>
    tpu.wait_dma2 semaphore(%arg18 : memref<!tpu.dma_semaphore, #tpu.memory_space<semaphore_mem>>) src(%dma_wait3A_38 : memref<640x64xf32, #tpu.memory_space<hbm>>) dst(%dma_wait3A_36 : memref<640x64xf32, #tpu.memory_space<vmem_shared>>)
    %dma_wait3A_39 = arith.constant 0 : i32
    %dma_wait3A_40 = arith.constant 0 : i32
    %dma_wait3A_41 = tpu.memref_slice %arg3[%add3A, %dma_wait3A_39, %dma_wait3A_40] : memref<32x81x128xi32, #tpu.memory_space<hbm>> -> memref<1x81x128xi32, #tpu.memory_space<hbm>>
    %dma_wait3A_42 = tpu.memref_squeeze %dma_wait3A_41 : memref<1x81x128xi32, #tpu.memory_space<hbm>> -> memref<81x128xi32, #tpu.memory_space<hbm>>
    %dma_wait3A_43 = arith.constant 0 : i32
    %dma_wait3A_44 = arith.constant 0 : i32
    %dma_wait3A_45 = tpu.memref_slice %arg3[%add3A, %dma_wait3A_43, %dma_wait3A_44] : memref<32x81x128xi32, #tpu.memory_space<hbm>> -> memref<1x81x128xi32, #tpu.memory_space<hbm>>
    %dma_wait3A_46 = tpu.memref_squeeze %dma_wait3A_45 : memref<1x81x128xi32, #tpu.memory_space<hbm>> -> memref<81x128xi32, #tpu.memory_space<hbm>>
    tpu.wait_dma2 semaphore(%arg19 : memref<!tpu.dma_semaphore, #tpu.memory_space<semaphore_mem>>) src(%dma_wait3A_46 : memref<81x128xi32, #tpu.memory_space<hbm>>) dst(%arg7 : memref<81x128xi32, #tpu.memory_space<vmem>>)
    %dma_wait3A_47 = arith.constant 0 : i32
    %dma_wait3A_48 = arith.constant 0 : i32
    %dma_wait3A_49 = tpu.memref_slice %arg4[%add3A, %dma_wait3A_47, %dma_wait3A_48] : memref<32x81x128xi32, #tpu.memory_space<hbm>> -> memref<1x81x128xi32, #tpu.memory_space<hbm>>
    %dma_wait3A_50 = tpu.memref_squeeze %dma_wait3A_49 : memref<1x81x128xi32, #tpu.memory_space<hbm>> -> memref<81x128xi32, #tpu.memory_space<hbm>>
    %dma_wait3A_51 = arith.constant 0 : i32
    %dma_wait3A_52 = arith.constant 0 : i32
    %dma_wait3A_53 = tpu.memref_slice %arg4[%add3A, %dma_wait3A_51, %dma_wait3A_52] : memref<32x81x128xi32, #tpu.memory_space<hbm>> -> memref<1x81x128xi32, #tpu.memory_space<hbm>>
    %dma_wait3A_54 = tpu.memref_squeeze %dma_wait3A_53 : memref<1x81x128xi32, #tpu.memory_space<hbm>> -> memref<81x128xi32, #tpu.memory_space<hbm>>
    tpu.wait_dma2 semaphore(%arg20 : memref<!tpu.dma_semaphore, #tpu.memory_space<semaphore_mem>>) src(%dma_wait3A_54 : memref<81x128xi32, #tpu.memory_space<hbm>>) dst(%arg8 : memref<81x128xi32, #tpu.memory_space<vmem>>)
    %barrier3A = arith.constant 0 : index
    tpu.barrier barrier_id(%barrier3A)
    %dma_start3A_55 = arith.constant 0 : i32
    %dma_start3A_56 = arith.constant 0 : i32
    %dma_start3A_57 = tpu.memref_slice %arg7[%dma_start3A_55, %dma_start3A_56] : memref<81x128xi32, #tpu.memory_space<vmem>> -> memref<1x128xi32, #tpu.memory_space<vmem>>
    %dma_start3A_58 = tpu.memref_squeeze %dma_start3A_57 : memref<1x128xi32, #tpu.memory_space<vmem>> -> memref<128xi32, #tpu.memory_space<vmem>>
    %dma_start3A_59 = arith.constant 0 : i32
    %dma_start3A_60 = arith.constant 0 : i32
    %dma_start3A_61 = tpu.memref_slice %arg12[%dma_start3A_59, %dma_start3A_60] : memref<10240x64xf32, #tpu.memory_space<vmem_shared>> -> memref<10240x64xf32, #tpu.memory_space<vmem_shared>>
    tpu.enqueue_indirect_dma source(%dma_start3A_61 : memref<10240x64xf32, #tpu.memory_space<vmem_shared>>) target(%arg9 : memref<128x64xf32, #tpu.memory_space<vmem>>) offsets(%dma_start3A_58 : memref<128xi32, #tpu.memory_space<vmem>>) semaphore(%arg14 : memref<!tpu.dma_semaphore, #tpu.memory_space<semaphore_mem>>)
    %dma_start3A_62 = arith.constant 1 : i32
    %dma_start3A_63 = arith.constant 0 : i32
    %dma_start3A_64 = tpu.memref_slice %arg7[%dma_start3A_62, %dma_start3A_63] : memref<81x128xi32, #tpu.memory_space<vmem>> -> memref<1x128xi32, #tpu.memory_space<vmem>>
    %dma_start3A_65 = tpu.memref_squeeze %dma_start3A_64 : memref<1x128xi32, #tpu.memory_space<vmem>> -> memref<128xi32, #tpu.memory_space<vmem>>
    %dma_start3A_66 = arith.constant 0 : i32
    %dma_start3A_67 = arith.constant 0 : i32
    %dma_start3A_68 = tpu.memref_slice %arg12[%dma_start3A_66, %dma_start3A_67] : memref<10240x64xf32, #tpu.memory_space<vmem_shared>> -> memref<10240x64xf32, #tpu.memory_space<vmem_shared>>
    tpu.enqueue_indirect_dma source(%dma_start3A_68 : memref<10240x64xf32, #tpu.memory_space<vmem_shared>>) target(%arg10 : memref<128x64xf32, #tpu.memory_space<vmem>>) offsets(%dma_start3A_65 : memref<128xi32, #tpu.memory_space<vmem>>) semaphore(%arg15 : memref<!tpu.dma_semaphore, #tpu.memory_space<semaphore_mem>>)
    %dma_start3A_69 = arith.constant 2 : i32
    %dma_start3A_70 = arith.constant 0 : i32
    %dma_start3A_71 = tpu.memref_slice %arg7[%dma_start3A_69, %dma_start3A_70] : memref<81x128xi32, #tpu.memory_space<vmem>> -> memref<1x128xi32, #tpu.memory_space<vmem>>
    %dma_start3A_72 = tpu.memref_squeeze %dma_start3A_71 : memref<1x128xi32, #tpu.memory_space<vmem>> -> memref<128xi32, #tpu.memory_space<vmem>>
    %dma_start3A_73 = arith.constant 0 : i32
    %dma_start3A_74 = arith.constant 0 : i32
    %dma_start3A_75 = tpu.memref_slice %arg12[%dma_start3A_73, %dma_start3A_74] : memref<10240x64xf32, #tpu.memory_space<vmem_shared>> -> memref<10240x64xf32, #tpu.memory_space<vmem_shared>>
    tpu.enqueue_indirect_dma source(%dma_start3A_75 : memref<10240x64xf32, #tpu.memory_space<vmem_shared>>) target(%arg11 : memref<128x64xf32, #tpu.memory_space<vmem>>) offsets(%dma_start3A_72 : memref<128xi32, #tpu.memory_space<vmem>>) semaphore(%arg16 : memref<!tpu.dma_semaphore, #tpu.memory_space<semaphore_mem>>)
    %scan3A = arith.constant 0 : i32
    %scan3A_76 = arith.constant 0 : i32
    %scan3A_77 = arith.constant 27 : i32
    %scan3A_78 = arith.addi %scan3A_76, %scan3A_77 : i32
    %scan3A_79 = arith.constant 1 : i32
    scf.for %scan3A_86 = %scan3A_76 to %scan3A_78 step %scan3A_79  : i32 {
      %mul3A_87 = arith.constant 3 : i32
      %mul3A_88 = arith.muli %scan3A_86, %mul3A_87 : i32
      %dma_wait3A_89 = arith.constant 0 : i32
      %dma_wait3A_90 = arith.constant 0 : i32
      %dma_wait3A_91 = tpu.memref_slice %arg7[%dma_wait3A_89, %dma_wait3A_90] : memref<81x128xi32, #tpu.memory_space<vmem>> -> memref<1x128xi32, #tpu.memory_space<vmem>>
      %dma_wait3A_92 = tpu.memref_squeeze %dma_wait3A_91 : memref<1x128xi32, #tpu.memory_space<vmem>> -> memref<128xi32, #tpu.memory_space<vmem>>
      %dma_wait3A_93 = arith.constant 0 : i32
      %dma_wait3A_94 = arith.constant 0 : i32
      %dma_wait3A_95 = tpu.memref_slice %arg12[%dma_wait3A_93, %dma_wait3A_94] : memref<10240x64xf32, #tpu.memory_space<vmem_shared>> -> memref<10240x64xf32, #tpu.memory_space<vmem_shared>>
      tpu.wait_indirect_dma semaphore(%arg14 : memref<!tpu.dma_semaphore, #tpu.memory_space<semaphore_mem>>) src(%dma_wait3A_95 : memref<10240x64xf32, #tpu.memory_space<vmem_shared>>) dst(%arg9 : memref<128x64xf32, #tpu.memory_space<vmem>>)
      %add3A_96 = arith.constant 0 : i32
      %add3A_97 = arith.addi %mul3A_88, %add3A_96 : i32
      "tpu.region"() ({
        %run_scoped3A = tpu.sem_alloc : memref<!tpu.dma_semaphore, #tpu.memory_space<semaphore_mem>>
        %dma_start3A_128 = arith.constant 0 : i32
        %dma_start3A_129 = tpu.memref_slice %arg8[%add3A_97, %dma_start3A_128] : memref<81x128xi32, #tpu.memory_space<vmem>> -> memref<1x128xi32, #tpu.memory_space<vmem>>
        %dma_start3A_130 = tpu.memref_squeeze %dma_start3A_129 : memref<1x128xi32, #tpu.memory_space<vmem>> -> memref<128xi32, #tpu.memory_space<vmem>>
        %dma_start3A_131 = arith.constant 0 : i32
        %dma_start3A_132 = arith.constant 0 : i32
        %dma_start3A_133 = tpu.memref_slice %arg13[%dma_start3A_131, %dma_start3A_132] : memref<10240x64xf32, #tpu.memory_space<vmem_shared>> -> memref<10240x64xf32, #tpu.memory_space<vmem_shared>>
        tpu.enqueue_indirect_dma source(%arg9 : memref<128x64xf32, #tpu.memory_space<vmem>>) target(%dma_start3A_133 : memref<10240x64xf32, #tpu.memory_space<vmem_shared>>) offsets(%dma_start3A_130 : memref<128xi32, #tpu.memory_space<vmem>>) semaphore(%run_scoped3A : memref<!tpu.dma_semaphore, #tpu.memory_space<semaphore_mem>>) {add = true}
        %dma_wait3A_134 = arith.constant 0 : i32
        %dma_wait3A_135 = tpu.memref_slice %arg8[%add3A_97, %dma_wait3A_134] : memref<81x128xi32, #tpu.memory_space<vmem>> -> memref<1x128xi32, #tpu.memory_space<vmem>>
        %dma_wait3A_136 = tpu.memref_squeeze %dma_wait3A_135 : memref<1x128xi32, #tpu.memory_space<vmem>> -> memref<128xi32, #tpu.memory_space<vmem>>
        %dma_wait3A_137 = arith.constant 0 : i32
        %dma_wait3A_138 = arith.constant 0 : i32
        %dma_wait3A_139 = tpu.memref_slice %arg13[%dma_wait3A_137, %dma_wait3A_138] : memref<10240x64xf32, #tpu.memory_space<vmem_shared>> -> memref<10240x64xf32, #tpu.memory_space<vmem_shared>>
        tpu.wait_indirect_dma semaphore(%run_scoped3A : memref<!tpu.dma_semaphore, #tpu.memory_space<semaphore_mem>>) src(%arg9 : memref<128x64xf32, #tpu.memory_space<vmem>>) dst(%dma_wait3A_139 : memref<10240x64xf32, #tpu.memory_space<vmem_shared>>)
        tpu.yield
      }) : () -> ()
      %lt3A = arith.constant 26 : i32
      %lt3A_98 = arith.cmpi slt, %scan3A_86, %lt3A : i32
      %convert_element_type3A = arith.extui %lt3A_98 : i1 to i32
      %cond3A = arith.constant 0 : i32
      %cond3A_99 = arith.cmpi ne, %convert_element_type3A, %cond3A : i32
      scf.if %cond3A_99 {
        %add3A_128 = arith.constant 3 : i32
        %add3A_129 = arith.addi %mul3A_88, %add3A_128 : i32
        %add3A_130 = arith.constant 0 : i32
        %add3A_131 = arith.addi %add3A_129, %add3A_130 : i32
        %dma_start3A_132 = arith.constant 0 : i32
        %dma_start3A_133 = tpu.memref_slice %arg7[%add3A_131, %dma_start3A_132] : memref<81x128xi32, #tpu.memory_space<vmem>> -> memref<1x128xi32, #tpu.memory_space<vmem>>
        %dma_start3A_134 = tpu.memref_squeeze %dma_start3A_133 : memref<1x128xi32, #tpu.memory_space<vmem>> -> memref<128xi32, #tpu.memory_space<vmem>>
        %dma_start3A_135 = arith.constant 0 : i32
        %dma_start3A_136 = arith.constant 0 : i32
        %dma_start3A_137 = tpu.memref_slice %arg12[%dma_start3A_135, %dma_start3A_136] : memref<10240x64xf32, #tpu.memory_space<vmem_shared>> -> memref<10240x64xf32, #tpu.memory_space<vmem_shared>>
        tpu.enqueue_indirect_dma source(%dma_start3A_137 : memref<10240x64xf32, #tpu.memory_space<vmem_shared>>) target(%arg9 : memref<128x64xf32, #tpu.memory_space<vmem>>) offsets(%dma_start3A_134 : memref<128xi32, #tpu.memory_space<vmem>>) semaphore(%arg14 : memref<!tpu.dma_semaphore, #tpu.memory_space<semaphore_mem>>)
      } else {
      }
      %dma_wait3A_100 = arith.constant 0 : i32
      %dma_wait3A_101 = arith.constant 0 : i32
      %dma_wait3A_102 = tpu.memref_slice %arg7[%dma_wait3A_100, %dma_wait3A_101] : memref<81x128xi32, #tpu.memory_space<vmem>> -> memref<1x128xi32, #tpu.memory_space<vmem>>
      %dma_wait3A_103 = tpu.memref_squeeze %dma_wait3A_102 : memref<1x128xi32, #tpu.memory_space<vmem>> -> memref<128xi32, #tpu.memory_space<vmem>>
      %dma_wait3A_104 = arith.constant 0 : i32
      %dma_wait3A_105 = arith.constant 0 : i32
      %dma_wait3A_106 = tpu.memref_slice %arg12[%dma_wait3A_104, %dma_wait3A_105] : memref<10240x64xf32, #tpu.memory_space<vmem_shared>> -> memref<10240x64xf32, #tpu.memory_space<vmem_shared>>
      tpu.wait_indirect_dma semaphore(%arg15 : memref<!tpu.dma_semaphore, #tpu.memory_space<semaphore_mem>>) src(%dma_wait3A_106 : memref<10240x64xf32, #tpu.memory_space<vmem_shared>>) dst(%arg10 : memref<128x64xf32, #tpu.memory_space<vmem>>)
      %add3A_107 = arith.constant 1 : i32
      %add3A_108 = arith.addi %mul3A_88, %add3A_107 : i32
      "tpu.region"() ({
        %run_scoped3A = tpu.sem_alloc : memref<!tpu.dma_semaphore, #tpu.memory_space<semaphore_mem>>
        %dma_start3A_128 = arith.constant 0 : i32
        %dma_start3A_129 = tpu.memref_slice %arg8[%add3A_108, %dma_start3A_128] : memref<81x128xi32, #tpu.memory_space<vmem>> -> memref<1x128xi32, #tpu.memory_space<vmem>>
        %dma_start3A_130 = tpu.memref_squeeze %dma_start3A_129 : memref<1x128xi32, #tpu.memory_space<vmem>> -> memref<128xi32, #tpu.memory_space<vmem>>
        %dma_start3A_131 = arith.constant 0 : i32
        %dma_start3A_132 = arith.constant 0 : i32
        %dma_start3A_133 = tpu.memref_slice %arg13[%dma_start3A_131, %dma_start3A_132] : memref<10240x64xf32, #tpu.memory_space<vmem_shared>> -> memref<10240x64xf32, #tpu.memory_space<vmem_shared>>
        tpu.enqueue_indirect_dma source(%arg10 : memref<128x64xf32, #tpu.memory_space<vmem>>) target(%dma_start3A_133 : memref<10240x64xf32, #tpu.memory_space<vmem_shared>>) offsets(%dma_start3A_130 : memref<128xi32, #tpu.memory_space<vmem>>) semaphore(%run_scoped3A : memref<!tpu.dma_semaphore, #tpu.memory_space<semaphore_mem>>) {add = true}
        %dma_wait3A_134 = arith.constant 0 : i32
        %dma_wait3A_135 = tpu.memref_slice %arg8[%add3A_108, %dma_wait3A_134] : memref<81x128xi32, #tpu.memory_space<vmem>> -> memref<1x128xi32, #tpu.memory_space<vmem>>
        %dma_wait3A_136 = tpu.memref_squeeze %dma_wait3A_135 : memref<1x128xi32, #tpu.memory_space<vmem>> -> memref<128xi32, #tpu.memory_space<vmem>>
        %dma_wait3A_137 = arith.constant 0 : i32
        %dma_wait3A_138 = arith.constant 0 : i32
        %dma_wait3A_139 = tpu.memref_slice %arg13[%dma_wait3A_137, %dma_wait3A_138] : memref<10240x64xf32, #tpu.memory_space<vmem_shared>> -> memref<10240x64xf32, #tpu.memory_space<vmem_shared>>
        tpu.wait_indirect_dma semaphore(%run_scoped3A : memref<!tpu.dma_semaphore, #tpu.memory_space<semaphore_mem>>) src(%arg10 : memref<128x64xf32, #tpu.memory_space<vmem>>) dst(%dma_wait3A_139 : memref<10240x64xf32, #tpu.memory_space<vmem_shared>>)
        tpu.yield
      }) : () -> ()
      %lt3A_109 = arith.constant 26 : i32
      %lt3A_110 = arith.cmpi slt, %scan3A_86, %lt3A_109 : i32
      %convert_element_type3A_111 = arith.extui %lt3A_110 : i1 to i32
      %cond3A_112 = arith.constant 0 : i32
      %cond3A_113 = arith.cmpi ne, %convert_element_type3A_111, %cond3A_112 : i32
      scf.if %cond3A_113 {
        %add3A_128 = arith.constant 3 : i32
        %add3A_129 = arith.addi %mul3A_88, %add3A_128 : i32
        %add3A_130 = arith.constant 1 : i32
        %add3A_131 = arith.addi %add3A_129, %add3A_130 : i32
        %dma_start3A_132 = arith.constant 0 : i32
        %dma_start3A_133 = tpu.memref_slice %arg7[%add3A_131, %dma_start3A_132] : memref<81x128xi32, #tpu.memory_space<vmem>> -> memref<1x128xi32, #tpu.memory_space<vmem>>
        %dma_start3A_134 = tpu.memref_squeeze %dma_start3A_133 : memref<1x128xi32, #tpu.memory_space<vmem>> -> memref<128xi32, #tpu.memory_space<vmem>>
        %dma_start3A_135 = arith.constant 0 : i32
        %dma_start3A_136 = arith.constant 0 : i32
        %dma_start3A_137 = tpu.memref_slice %arg12[%dma_start3A_135, %dma_start3A_136] : memref<10240x64xf32, #tpu.memory_space<vmem_shared>> -> memref<10240x64xf32, #tpu.memory_space<vmem_shared>>
        tpu.enqueue_indirect_dma source(%dma_start3A_137 : memref<10240x64xf32, #tpu.memory_space<vmem_shared>>) target(%arg10 : memref<128x64xf32, #tpu.memory_space<vmem>>) offsets(%dma_start3A_134 : memref<128xi32, #tpu.memory_space<vmem>>) semaphore(%arg15 : memref<!tpu.dma_semaphore, #tpu.memory_space<semaphore_mem>>)
      } else {
      }
      %dma_wait3A_114 = arith.constant 0 : i32
      %dma_wait3A_115 = arith.constant 0 : i32
      %dma_wait3A_116 = tpu.memref_slice %arg7[%dma_wait3A_114, %dma_wait3A_115] : memref<81x128xi32, #tpu.memory_space<vmem>> -> memref<1x128xi32, #tpu.memory_space<vmem>>
      %dma_wait3A_117 = tpu.memref_squeeze %dma_wait3A_116 : memref<1x128xi32, #tpu.memory_space<vmem>> -> memref<128xi32, #tpu.memory_space<vmem>>
      %dma_wait3A_118 = arith.constant 0 : i32
      %dma_wait3A_119 = arith.constant 0 : i32
      %dma_wait3A_120 = tpu.memref_slice %arg12[%dma_wait3A_118, %dma_wait3A_119] : memref<10240x64xf32, #tpu.memory_space<vmem_shared>> -> memref<10240x64xf32, #tpu.memory_space<vmem_shared>>
      tpu.wait_indirect_dma semaphore(%arg16 : memref<!tpu.dma_semaphore, #tpu.memory_space<semaphore_mem>>) src(%dma_wait3A_120 : memref<10240x64xf32, #tpu.memory_space<vmem_shared>>) dst(%arg11 : memref<128x64xf32, #tpu.memory_space<vmem>>)
      %add3A_121 = arith.constant 2 : i32
      %add3A_122 = arith.addi %mul3A_88, %add3A_121 : i32
      "tpu.region"() ({
        %run_scoped3A = tpu.sem_alloc : memref<!tpu.dma_semaphore, #tpu.memory_space<semaphore_mem>>
        %dma_start3A_128 = arith.constant 0 : i32
        %dma_start3A_129 = tpu.memref_slice %arg8[%add3A_122, %dma_start3A_128] : memref<81x128xi32, #tpu.memory_space<vmem>> -> memref<1x128xi32, #tpu.memory_space<vmem>>
        %dma_start3A_130 = tpu.memref_squeeze %dma_start3A_129 : memref<1x128xi32, #tpu.memory_space<vmem>> -> memref<128xi32, #tpu.memory_space<vmem>>
        %dma_start3A_131 = arith.constant 0 : i32
        %dma_start3A_132 = arith.constant 0 : i32
        %dma_start3A_133 = tpu.memref_slice %arg13[%dma_start3A_131, %dma_start3A_132] : memref<10240x64xf32, #tpu.memory_space<vmem_shared>> -> memref<10240x64xf32, #tpu.memory_space<vmem_shared>>
        tpu.enqueue_indirect_dma source(%arg11 : memref<128x64xf32, #tpu.memory_space<vmem>>) target(%dma_start3A_133 : memref<10240x64xf32, #tpu.memory_space<vmem_shared>>) offsets(%dma_start3A_130 : memref<128xi32, #tpu.memory_space<vmem>>) semaphore(%run_scoped3A : memref<!tpu.dma_semaphore, #tpu.memory_space<semaphore_mem>>) {add = true}
        %dma_wait3A_134 = arith.constant 0 : i32
        %dma_wait3A_135 = tpu.memref_slice %arg8[%add3A_122, %dma_wait3A_134] : memref<81x128xi32, #tpu.memory_space<vmem>> -> memref<1x128xi32, #tpu.memory_space<vmem>>
        %dma_wait3A_136 = tpu.memref_squeeze %dma_wait3A_135 : memref<1x128xi32, #tpu.memory_space<vmem>> -> memref<128xi32, #tpu.memory_space<vmem>>
        %dma_wait3A_137 = arith.constant 0 : i32
        %dma_wait3A_138 = arith.constant 0 : i32
        %dma_wait3A_139 = tpu.memref_slice %arg13[%dma_wait3A_137, %dma_wait3A_138] : memref<10240x64xf32, #tpu.memory_space<vmem_shared>> -> memref<10240x64xf32, #tpu.memory_space<vmem_shared>>
        tpu.wait_indirect_dma semaphore(%run_scoped3A : memref<!tpu.dma_semaphore, #tpu.memory_space<semaphore_mem>>) src(%arg11 : memref<128x64xf32, #tpu.memory_space<vmem>>) dst(%dma_wait3A_139 : memref<10240x64xf32, #tpu.memory_space<vmem_shared>>)
        tpu.yield
      }) : () -> ()
      %lt3A_123 = arith.constant 26 : i32
      %lt3A_124 = arith.cmpi slt, %scan3A_86, %lt3A_123 : i32
      %convert_element_type3A_125 = arith.extui %lt3A_124 : i1 to i32
      %cond3A_126 = arith.constant 0 : i32
      %cond3A_127 = arith.cmpi ne, %convert_element_type3A_125, %cond3A_126 : i32
      scf.if %cond3A_127 {
        %add3A_128 = arith.constant 3 : i32
        %add3A_129 = arith.addi %mul3A_88, %add3A_128 : i32
        %add3A_130 = arith.constant 2 : i32
        %add3A_131 = arith.addi %add3A_129, %add3A_130 : i32
        %dma_start3A_132 = arith.constant 0 : i32
        %dma_start3A_133 = tpu.memref_slice %arg7[%add3A_131, %dma_start3A_132] : memref<81x128xi32, #tpu.memory_space<vmem>> -> memref<1x128xi32, #tpu.memory_space<vmem>>
        %dma_start3A_134 = tpu.memref_squeeze %dma_start3A_133 : memref<1x128xi32, #tpu.memory_space<vmem>> -> memref<128xi32, #tpu.memory_space<vmem>>
        %dma_start3A_135 = arith.constant 0 : i32
        %dma_start3A_136 = arith.constant 0 : i32
        %dma_start3A_137 = tpu.memref_slice %arg12[%dma_start3A_135, %dma_start3A_136] : memref<10240x64xf32, #tpu.memory_space<vmem_shared>> -> memref<10240x64xf32, #tpu.memory_space<vmem_shared>>
        tpu.enqueue_indirect_dma source(%dma_start3A_137 : memref<10240x64xf32, #tpu.memory_space<vmem_shared>>) target(%arg11 : memref<128x64xf32, #tpu.memory_space<vmem>>) offsets(%dma_start3A_134 : memref<128xi32, #tpu.memory_space<vmem>>) semaphore(%arg16 : memref<!tpu.dma_semaphore, #tpu.memory_space<semaphore_mem>>)
      } else {
      }
    }
    %scan3A_80 = arith.constant 27 : i32
    %barrier3A_81 = arith.constant 0 : index
    tpu.barrier barrier_id(%barrier3A_81)
    %mul3A_82 = arith.constant 640 : i32
    %mul3A_83 = arith.muli %arg1, %mul3A_82 : i32
    %mul3A_84 = arith.constant 640 : i32
    %mul3A_85 = arith.muli %arg1, %mul3A_84 : i32
    "tpu.region"() ({
      %run_scoped3A = tpu.sem_alloc : memref<!tpu.dma_semaphore, #tpu.memory_space<semaphore_mem>>
      %dma_start3A_86 = arith.constant 0 : i32
      %dma_start3A_87 = tpu.memref_slice %arg6[%arg0, %mul3A_85, %dma_start3A_86] : memref<2x10240x64xf32, #tpu.memory_space<hbm>> -> memref<1x640x64xf32, #tpu.memory_space<hbm>>
      %dma_start3A_88 = tpu.memref_squeeze %dma_start3A_87 : memref<1x640x64xf32, #tpu.memory_space<hbm>> -> memref<640x64xf32, #tpu.memory_space<hbm>>
      %dma_start3A_89 = arith.constant 0 : i32
      %dma_start3A_90 = tpu.memref_slice %arg13[%mul3A_83, %dma_start3A_89] : memref<10240x64xf32, #tpu.memory_space<vmem_shared>> -> memref<640x64xf32, #tpu.memory_space<vmem_shared>>
      tpu.enqueue_dma source(%dma_start3A_90 : memref<640x64xf32, #tpu.memory_space<vmem_shared>>) target(%dma_start3A_88 : memref<640x64xf32, #tpu.memory_space<hbm>>) target_semaphore(%run_scoped3A : memref<!tpu.dma_semaphore, #tpu.memory_space<semaphore_mem>>)
      %dma_wait3A_91 = arith.constant 0 : i32
      %dma_wait3A_92 = tpu.memref_slice %arg6[%arg0, %mul3A_85, %dma_wait3A_91] : memref<2x10240x64xf32, #tpu.memory_space<hbm>> -> memref<1x640x64xf32, #tpu.memory_space<hbm>>
      %dma_wait3A_93 = tpu.memref_squeeze %dma_wait3A_92 : memref<1x640x64xf32, #tpu.memory_space<hbm>> -> memref<640x64xf32, #tpu.memory_space<hbm>>
      %dma_wait3A_94 = arith.constant 0 : i32
      %dma_wait3A_95 = tpu.memref_slice %arg13[%mul3A_83, %dma_wait3A_94] : memref<10240x64xf32, #tpu.memory_space<vmem_shared>> -> memref<640x64xf32, #tpu.memory_space<vmem_shared>>
      tpu.wait_dma2 semaphore(%run_scoped3A : memref<!tpu.dma_semaphore, #tpu.memory_space<semaphore_mem>>) src(%dma_wait3A_95 : memref<640x64xf32, #tpu.memory_space<vmem_shared>>) dst(%dma_wait3A_93 : memref<640x64xf32, #tpu.memory_space<hbm>>)
      tpu.yield
    }) : () -> ()
    return
  }
}

module attributes {stable_mosaic.version = 14 : i64} {
  func.func @_tc1_body(%arg0: i32, %arg1: memref<2x2048xf32, #tpu.memory_space<vmem>>, %arg2: memref<2048x128xf32, #tpu.memory_space<vmem>>, %arg3: memref<128x64xf32, #tpu.memory_space<vmem>>, %arg4: memref<2048x64xf32, #tpu.memory_space<vmem>>) attributes {dimension_semantics = [#tpu.dimension_semantics<arbitrary>], iteration_bounds = array<i64: 5>, scalar_prefetch = 0 : i64, scratch_operands = 0 : i64, tpu.core_type = #tpu.core_type<tc>, window_params = [{transform_indices = @transform_0, window_bounds = array<i64: 2, 2048>}, {transform_indices = @transform_1, window_bounds = array<i64: 2048, 128>}, {pipeline_mode = #tpu.pipeline_mode<synchronous>, transform_indices = @transform_2, window_bounds = array<i64: 128, 64>}, {transform_indices = @transform_3, window_bounds = array<i64: 2048, 64>}]} {
    %get3A = arith.constant 0 : index
    %get3A_0 = arith.constant 0 : index
    %get3A_1 = vector.load %arg2[%get3A, %get3A_0] : memref<2048x128xf32, #tpu.memory_space<vmem>>, vector<2048x128xf32>
    %get3A_2 = arith.constant 0 : index
    %get3A_3 = arith.constant 0 : index
    %get3A_4 = vector.load %arg3[%get3A_2, %get3A_3] : memref<128x64xf32, #tpu.memory_space<vmem>>, vector<128x64xf32>
    %dot_general3A = arith.constant dense<0.000000e+00> : vector<2048x64xf32>
    %dot_general3A_5 = tpu.matmul %get3A_1, %get3A_4, %dot_general3A {dimension_numbers = #tpu.dot_dimension_numbers<[1], [0], [0], [1], [0, 0, 1, 1], [], []>, transpose_lhs_hint = false} : vector<2048x128xf32>, vector<128x64xf32>, vector<2048x64xf32> -> vector<2048x64xf32>
    %get3A_6 = arith.constant 0 : index
    %get3A_7 = arith.constant 0 : index
    %get3A_8 = vector.load %arg1[%get3A_6, %get3A_7] : memref<2x2048xf32, #tpu.memory_space<vmem>>, vector<1x2048xf32>
    %get3A_9 = vector.shape_cast %get3A_8 : vector<1x2048xf32> to vector<2048xf32>
    %get3A_10 = arith.constant 1 : index
    %get3A_11 = arith.constant 0 : index
    %get3A_12 = vector.load %arg1[%get3A_10, %get3A_11] : memref<2x2048xf32, #tpu.memory_space<vmem>>, vector<1x2048xf32>
    %get3A_13 = vector.shape_cast %get3A_12 : vector<1x2048xf32> to vector<2048xf32>
    %add3A = arith.addf %get3A_9, %get3A_13 : vector<2048xf32>
    %add3A_14 = arith.constant 1.000000e+00 : f32
    %add3A_15 = vector.broadcast %add3A_14 : f32 to vector<2048xf32>
    %add3A_16 = arith.addf %add3A, %add3A_15 : vector<2048xf32>
    %rsqrt3A = math.rsqrt %add3A_16 : vector<2048xf32>
    %broadcast_in_dim3A = vector.shape_cast %rsqrt3A : vector<2048xf32> to vector<2048x1xf32>
    %mul3A = vector.broadcast %broadcast_in_dim3A : vector<2048x1xf32> to vector<2048x64xf32>
    %mul3A_17 = arith.mulf %mul3A, %dot_general3A_5 : vector<2048x64xf32>
    %swap3A = arith.constant 0 : index
    %swap3A_18 = arith.constant 0 : index
    %swap3A_19 = vector.load %arg4[%swap3A, %swap3A_18] : memref<2048x64xf32, #tpu.memory_space<vmem>>, vector<2048x64xf32>
    tpu.vector_store %arg4[%swap3A, %swap3A_18], %mul3A_17 {strides = array<i32>} : memref<2048x64xf32, #tpu.memory_space<vmem>>, vector<2048x64xf32>,
    return
  }
  func.func @transform_0(%arg0: i32) -> (i32, i32) {
    %c0_i32 = arith.constant 0 : i32
    %c0_i32_0 = arith.constant 0 : i32
    return %c0_i32, %arg0 : i32, i32
  }
  func.func @transform_1(%arg0: i32) -> (i32, i32) {
    %c0_i32 = arith.constant 0 : i32
    %c0_i32_0 = arith.constant 0 : i32
    return %arg0, %c0_i32 : i32, i32
  }
  func.func @transform_2(%arg0: i32) -> (i32, i32) {
    %c0_i32 = arith.constant 0 : i32
    %c0_i32_0 = arith.constant 0 : i32
    %c0_i32_1 = arith.constant 0 : i32
    return %c0_i32, %c0_i32_0 : i32, i32
  }
  func.func @transform_3(%arg0: i32) -> (i32, i32) {
    %c0_i32 = arith.constant 0 : i32
    %c0_i32_0 = arith.constant 0 : i32
    return %arg0, %c0_i32 : i32, i32
  }
}

module attributes {stable_mosaic.version = 14 : i64} {
  func.func @_tc2_body(%arg0: i32, %arg1: memref<2x2048xf32, #tpu.memory_space<vmem>>, %arg2: memref<2x2048x64xf32, #tpu.memory_space<vmem>>, %arg3: memref<2048x64xf32, #tpu.memory_space<vmem>>, %arg4: memref<1x64xf32, #tpu.memory_space<vmem>>, %arg5: memref<64x64xf32, #tpu.memory_space<vmem>>, %arg6: memref<2048x64xf32, #tpu.memory_space<vmem>>) attributes {dimension_semantics = [#tpu.dimension_semantics<arbitrary>], iteration_bounds = array<i64: 5>, scalar_prefetch = 0 : i64, scratch_operands = 0 : i64, tpu.core_type = #tpu.core_type<tc>, window_params = [{transform_indices = @transform_0, window_bounds = array<i64: 2, 2048>}, {transform_indices = @transform_1, window_bounds = array<i64: 2, 2048, 64>}, {transform_indices = @transform_2, window_bounds = array<i64: 2048, 64>}, {pipeline_mode = #tpu.pipeline_mode<synchronous>, transform_indices = @transform_3, window_bounds = array<i64: 1, 64>}, {pipeline_mode = #tpu.pipeline_mode<synchronous>, transform_indices = @transform_4, window_bounds = array<i64: 64, 64>}, {transform_indices = @transform_5, window_bounds = array<i64: 2048, 64>}]} {
    %get3A = arith.constant 0 : index
    %get3A_0 = arith.constant 0 : index
    %get3A_1 = arith.constant 0 : index
    %get3A_2 = vector.load %arg2[%get3A, %get3A_0, %get3A_1] : memref<2x2048x64xf32, #tpu.memory_space<vmem>>, vector<1x2048x64xf32>
    %get3A_3 = vector.shape_cast %get3A_2 : vector<1x2048x64xf32> to vector<2048x64xf32>
    %get3A_4 = arith.constant 1 : index
    %get3A_5 = arith.constant 0 : index
    %get3A_6 = arith.constant 0 : index
    %get3A_7 = vector.load %arg2[%get3A_4, %get3A_5, %get3A_6] : memref<2x2048x64xf32, #tpu.memory_space<vmem>>, vector<1x2048x64xf32>
    %get3A_8 = vector.shape_cast %get3A_7 : vector<1x2048x64xf32> to vector<2048x64xf32>
    %add3A = arith.addf %get3A_3, %get3A_8 : vector<2048x64xf32>
    %get3A_9 = arith.constant 0 : index
    %get3A_10 = arith.constant 0 : index
    %get3A_11 = vector.load %arg3[%get3A_9, %get3A_10] : memref<2048x64xf32, #tpu.memory_space<vmem>>, vector<2048x64xf32>
    %add3A_12 = arith.addf %add3A, %get3A_11 : vector<2048x64xf32>
    %get3A_13 = arith.constant 0 : index
    %get3A_14 = arith.constant 0 : index
    %get3A_15 = vector.load %arg1[%get3A_13, %get3A_14] : memref<2x2048xf32, #tpu.memory_space<vmem>>, vector<1x2048xf32>
    %get3A_16 = vector.shape_cast %get3A_15 : vector<1x2048xf32> to vector<2048xf32>
    %get3A_17 = arith.constant 1 : index
    %get3A_18 = arith.constant 0 : index
    %get3A_19 = vector.load %arg1[%get3A_17, %get3A_18] : memref<2x2048xf32, #tpu.memory_space<vmem>>, vector<1x2048xf32>
    %get3A_20 = vector.shape_cast %get3A_19 : vector<1x2048xf32> to vector<2048xf32>
    %add3A_21 = arith.addf %get3A_16, %get3A_20 : vector<2048xf32>
    %add3A_22 = arith.constant 1.000000e+00 : f32
    %add3A_23 = vector.broadcast %add3A_22 : f32 to vector<2048xf32>
    %add3A_24 = arith.addf %add3A_21, %add3A_23 : vector<2048xf32>
    %rsqrt3A = math.rsqrt %add3A_24 : vector<2048xf32>
    %broadcast_in_dim3A = vector.shape_cast %rsqrt3A : vector<2048xf32> to vector<2048x1xf32>
    %mul3A = vector.broadcast %broadcast_in_dim3A : vector<2048x1xf32> to vector<2048x64xf32>
    %mul3A_25 = arith.mulf %mul3A, %add3A_12 : vector<2048x64xf32>
    %get3A_26 = arith.constant 0 : index
    %get3A_27 = arith.constant 0 : index
    %get3A_28 = vector.load %arg4[%get3A_26, %get3A_27] : memref<1x64xf32, #tpu.memory_space<vmem>>, vector<1x64xf32>
    %add3A_29 = vector.broadcast %get3A_28 : vector<1x64xf32> to vector<2048x64xf32>
    %add3A_30 = arith.addf %mul3A_25, %add3A_29 : vector<2048x64xf32>
    %max3A = arith.constant 0.000000e+00 : f32
    %max3A_31 = vector.broadcast %max3A : f32 to vector<2048x64xf32>
    %max3A_32 = arith.maximumf %add3A_30, %max3A_31 : vector<2048x64xf32>
    %get3A_33 = arith.constant 0 : index
    %get3A_34 = arith.constant 0 : index
    %get3A_35 = vector.load %arg5[%get3A_33, %get3A_34] : memref<64x64xf32, #tpu.memory_space<vmem>>, vector<64x64xf32>
    %dot_general3A = arith.constant dense<0.000000e+00> : vector<2048x64xf32>
    %dot_general3A_36 = tpu.matmul %max3A_32, %get3A_35, %dot_general3A {dimension_numbers = #tpu.dot_dimension_numbers<[1], [0], [0], [1], [0, 0, 1, 1], [], []>, transpose_lhs_hint = false} : vector<2048x64xf32>, vector<64x64xf32>, vector<2048x64xf32> -> vector<2048x64xf32>
    %mul3A_37 = vector.broadcast %broadcast_in_dim3A : vector<2048x1xf32> to vector<2048x64xf32>
    %mul3A_38 = arith.mulf %mul3A_37, %dot_general3A_36 : vector<2048x64xf32>
    %swap3A = arith.constant 0 : index
    %swap3A_39 = arith.constant 0 : index
    %swap3A_40 = vector.load %arg6[%swap3A, %swap3A_39] : memref<2048x64xf32, #tpu.memory_space<vmem>>, vector<2048x64xf32>
    tpu.vector_store %arg6[%swap3A, %swap3A_39], %mul3A_38 {strides = array<i32>} : memref<2048x64xf32, #tpu.memory_space<vmem>>, vector<2048x64xf32>,
    return
  }
  func.func @transform_0(%arg0: i32) -> (i32, i32) {
    %c0_i32 = arith.constant 0 : i32
    %c0_i32_0 = arith.constant 0 : i32
    return %c0_i32, %arg0 : i32, i32
  }
  func.func @transform_1(%arg0: i32) -> (i32, i32, i32) {
    %c0_i32 = arith.constant 0 : i32
    %c0_i32_0 = arith.constant 0 : i32
    %c0_i32_1 = arith.constant 0 : i32
    return %c0_i32, %arg0, %c0_i32_0 : i32, i32, i32
  }
  func.func @transform_2(%arg0: i32) -> (i32, i32) {
    %c0_i32 = arith.constant 0 : i32
    %c0_i32_0 = arith.constant 0 : i32
    return %arg0, %c0_i32 : i32, i32
  }
  func.func @transform_3(%arg0: i32) -> (i32, i32) {
    %c0_i32 = arith.constant 0 : i32
    %c0_i32_0 = arith.constant 0 : i32
    %c0_i32_1 = arith.constant 0 : i32
    return %c0_i32, %c0_i32_0 : i32, i32
  }
  func.func @transform_4(%arg0: i32) -> (i32, i32) {
    %c0_i32 = arith.constant 0 : i32
    %c0_i32_0 = arith.constant 0 : i32
    %c0_i32_1 = arith.constant 0 : i32
    return %c0_i32, %c0_i32_0 : i32, i32
  }
  func.func @transform_5(%arg0: i32) -> (i32, i32) {
    %c0_i32 = arith.constant 0 : i32
    %c0_i32_0 = arith.constant 0 : i32
    return %arg0, %c0_i32 : i32, i32
  }
}

module attributes {stable_mosaic.version = 14 : i64} {
  func.func @_tc3_body(%arg0: i32, %arg1: memref<2x2048xf32, #tpu.memory_space<vmem>>, %arg2: memref<2x2048x64xf32, #tpu.memory_space<vmem>>, %arg3: memref<2048x64xf32, #tpu.memory_space<vmem>>, %arg4: memref<1x64xf32, #tpu.memory_space<vmem>>, %arg5: memref<64x32xf32, #tpu.memory_space<vmem>>, %arg6: memref<1x32xf32, #tpu.memory_space<vmem>>, %arg7: memref<32x1xf32, #tpu.memory_space<vmem>>, %arg8: memref<1x1xf32, #tpu.memory_space<vmem>>, %arg9: memref<2048x1xf32, #tpu.memory_space<vmem>>) attributes {dimension_semantics = [#tpu.dimension_semantics<arbitrary>], iteration_bounds = array<i64: 5>, scalar_prefetch = 0 : i64, scratch_operands = 0 : i64, tpu.core_type = #tpu.core_type<tc>, window_params = [{transform_indices = @transform_0, window_bounds = array<i64: 2, 2048>}, {transform_indices = @transform_1, window_bounds = array<i64: 2, 2048, 64>}, {transform_indices = @transform_2, window_bounds = array<i64: 2048, 64>}, {pipeline_mode = #tpu.pipeline_mode<synchronous>, transform_indices = @transform_3, window_bounds = array<i64: 1, 64>}, {pipeline_mode = #tpu.pipeline_mode<synchronous>, transform_indices = @transform_4, window_bounds = array<i64: 64, 32>}, {pipeline_mode = #tpu.pipeline_mode<synchronous>, transform_indices = @transform_5, window_bounds = array<i64: 1, 32>}, {pipeline_mode = #tpu.pipeline_mode<synchronous>, transform_indices = @transform_6, window_bounds = array<i64: 32, 1>}, {pipeline_mode = #tpu.pipeline_mode<synchronous>, transform_indices = @transform_7, window_bounds = array<i64: 1, 1>}, {transform_indices = @transform_8, window_bounds = array<i64: 2048, 1>}]} {
    %get3A = arith.constant 0 : index
    %get3A_0 = arith.constant 0 : index
    %get3A_1 = arith.constant 0 : index
    %get3A_2 = vector.load %arg2[%get3A, %get3A_0, %get3A_1] : memref<2x2048x64xf32, #tpu.memory_space<vmem>>, vector<1x2048x64xf32>
    %get3A_3 = vector.shape_cast %get3A_2 : vector<1x2048x64xf32> to vector<2048x64xf32>
    %get3A_4 = arith.constant 1 : index
    %get3A_5 = arith.constant 0 : index
    %get3A_6 = arith.constant 0 : index
    %get3A_7 = vector.load %arg2[%get3A_4, %get3A_5, %get3A_6] : memref<2x2048x64xf32, #tpu.memory_space<vmem>>, vector<1x2048x64xf32>
    %get3A_8 = vector.shape_cast %get3A_7 : vector<1x2048x64xf32> to vector<2048x64xf32>
    %add3A = arith.addf %get3A_3, %get3A_8 : vector<2048x64xf32>
    %get3A_9 = arith.constant 0 : index
    %get3A_10 = arith.constant 0 : index
    %get3A_11 = vector.load %arg3[%get3A_9, %get3A_10] : memref<2048x64xf32, #tpu.memory_space<vmem>>, vector<2048x64xf32>
    %add3A_12 = arith.addf %add3A, %get3A_11 : vector<2048x64xf32>
    %get3A_13 = arith.constant 0 : index
    %get3A_14 = arith.constant 0 : index
    %get3A_15 = vector.load %arg1[%get3A_13, %get3A_14] : memref<2x2048xf32, #tpu.memory_space<vmem>>, vector<1x2048xf32>
    %get3A_16 = vector.shape_cast %get3A_15 : vector<1x2048xf32> to vector<2048xf32>
    %get3A_17 = arith.constant 1 : index
    %get3A_18 = arith.constant 0 : index
    %get3A_19 = vector.load %arg1[%get3A_17, %get3A_18] : memref<2x2048xf32, #tpu.memory_space<vmem>>, vector<1x2048xf32>
    %get3A_20 = vector.shape_cast %get3A_19 : vector<1x2048xf32> to vector<2048xf32>
    %add3A_21 = arith.addf %get3A_16, %get3A_20 : vector<2048xf32>
    %add3A_22 = arith.constant 1.000000e+00 : f32
    %add3A_23 = vector.broadcast %add3A_22 : f32 to vector<2048xf32>
    %add3A_24 = arith.addf %add3A_21, %add3A_23 : vector<2048xf32>
    %rsqrt3A = math.rsqrt %add3A_24 : vector<2048xf32>
    %broadcast_in_dim3A = vector.shape_cast %rsqrt3A : vector<2048xf32> to vector<2048x1xf32>
    %mul3A = vector.broadcast %broadcast_in_dim3A : vector<2048x1xf32> to vector<2048x64xf32>
    %mul3A_25 = arith.mulf %mul3A, %add3A_12 : vector<2048x64xf32>
    %get3A_26 = arith.constant 0 : index
    %get3A_27 = arith.constant 0 : index
    %get3A_28 = vector.load %arg4[%get3A_26, %get3A_27] : memref<1x64xf32, #tpu.memory_space<vmem>>, vector<1x64xf32>
    %add3A_29 = vector.broadcast %get3A_28 : vector<1x64xf32> to vector<2048x64xf32>
    %add3A_30 = arith.addf %mul3A_25, %add3A_29 : vector<2048x64xf32>
    %max3A = arith.constant 0.000000e+00 : f32
    %max3A_31 = vector.broadcast %max3A : f32 to vector<2048x64xf32>
    %max3A_32 = arith.maximumf %add3A_30, %max3A_31 : vector<2048x64xf32>
    %get3A_33 = arith.constant 0 : index
    %get3A_34 = arith.constant 0 : index
    %get3A_35 = vector.load %arg5[%get3A_33, %get3A_34] : memref<64x32xf32, #tpu.memory_space<vmem>>, vector<64x32xf32>
    %dot_general3A = arith.constant dense<0.000000e+00> : vector<2048x32xf32>
    %dot_general3A_36 = tpu.matmul %max3A_32, %get3A_35, %dot_general3A {dimension_numbers = #tpu.dot_dimension_numbers<[1], [0], [0], [1], [0, 0, 1, 1], [], []>, transpose_lhs_hint = false} : vector<2048x64xf32>, vector<64x32xf32>, vector<2048x32xf32> -> vector<2048x32xf32>
    %get3A_37 = arith.constant 0 : index
    %get3A_38 = arith.constant 0 : index
    %get3A_39 = vector.load %arg6[%get3A_37, %get3A_38] : memref<1x32xf32, #tpu.memory_space<vmem>>, vector<1x32xf32>
    %add3A_40 = vector.broadcast %get3A_39 : vector<1x32xf32> to vector<2048x32xf32>
    %add3A_41 = arith.addf %dot_general3A_36, %add3A_40 : vector<2048x32xf32>
    %max3A_42 = arith.constant 0.000000e+00 : f32
    %max3A_43 = vector.broadcast %max3A_42 : f32 to vector<2048x32xf32>
    %max3A_44 = arith.maximumf %add3A_41, %max3A_43 : vector<2048x32xf32>
    %get3A_45 = arith.constant 0 : index
    %get3A_46 = arith.constant 0 : index
    %get3A_47 = vector.load %arg7[%get3A_45, %get3A_46] : memref<32x1xf32, #tpu.memory_space<vmem>>, vector<32x1xf32>
    %dot_general3A_48 = arith.constant dense<0.000000e+00> : vector<2048x1xf32>
    %dot_general3A_49 = tpu.matmul %max3A_44, %get3A_47, %dot_general3A_48 {dimension_numbers = #tpu.dot_dimension_numbers<[1], [0], [0], [1], [0, 0, 1, 1], [], []>, transpose_lhs_hint = false} : vector<2048x32xf32>, vector<32x1xf32>, vector<2048x1xf32> -> vector<2048x1xf32>
    %get3A_50 = arith.constant 0 : index
    %get3A_51 = arith.constant 0 : index
    %get3A_52 = vector.load %arg8[%get3A_50, %get3A_51] : memref<1x1xf32, #tpu.memory_space<vmem>>, vector<1x1xf32>
    %add3A_53 = vector.broadcast %get3A_52 : vector<1x1xf32> to vector<2048x1xf32>
    %add3A_54 = arith.addf %dot_general3A_49, %add3A_53 : vector<2048x1xf32>
    %swap3A = arith.constant 0 : index
    %swap3A_55 = arith.constant 0 : index
    %swap3A_56 = vector.load %arg9[%swap3A, %swap3A_55] : memref<2048x1xf32, #tpu.memory_space<vmem>>, vector<2048x1xf32>
    tpu.vector_store %arg9[%swap3A, %swap3A_55], %add3A_54 {strides = array<i32>} : memref<2048x1xf32, #tpu.memory_space<vmem>>, vector<2048x1xf32>,
    return
  }
  func.func @transform_0(%arg0: i32) -> (i32, i32) {
    %c0_i32 = arith.constant 0 : i32
    %c0_i32_0 = arith.constant 0 : i32
    return %c0_i32, %arg0 : i32, i32
  }
  func.func @transform_1(%arg0: i32) -> (i32, i32, i32) {
    %c0_i32 = arith.constant 0 : i32
    %c0_i32_0 = arith.constant 0 : i32
    %c0_i32_1 = arith.constant 0 : i32
    return %c0_i32, %arg0, %c0_i32_0 : i32, i32, i32
  }
  func.func @transform_2(%arg0: i32) -> (i32, i32) {
    %c0_i32 = arith.constant 0 : i32
    %c0_i32_0 = arith.constant 0 : i32
    return %arg0, %c0_i32 : i32, i32
  }
  func.func @transform_3(%arg0: i32) -> (i32, i32) {
    %c0_i32 = arith.constant 0 : i32
    %c0_i32_0 = arith.constant 0 : i32
    %c0_i32_1 = arith.constant 0 : i32
    return %c0_i32, %c0_i32_0 : i32, i32
  }
  func.func @transform_4(%arg0: i32) -> (i32, i32) {
    %c0_i32 = arith.constant 0 : i32
    %c0_i32_0 = arith.constant 0 : i32
    %c0_i32_1 = arith.constant 0 : i32
    return %c0_i32, %c0_i32_0 : i32, i32
  }
  func.func @transform_5(%arg0: i32) -> (i32, i32) {
    %c0_i32 = arith.constant 0 : i32
    %c0_i32_0 = arith.constant 0 : i32
    %c0_i32_1 = arith.constant 0 : i32
    return %c0_i32, %c0_i32_0 : i32, i32
  }
  func.func @transform_6(%arg0: i32) -> (i32, i32) {
    %c0_i32 = arith.constant 0 : i32
    %c0_i32_0 = arith.constant 0 : i32
    %c0_i32_1 = arith.constant 0 : i32
    return %c0_i32, %c0_i32_0 : i32, i32
  }
  func.func @transform_7(%arg0: i32) -> (i32, i32) {
    %c0_i32 = arith.constant 0 : i32
    %c0_i32_0 = arith.constant 0 : i32
    %c0_i32_1 = arith.constant 0 : i32
    return %c0_i32, %c0_i32_0 : i32, i32
  }
  func.func @transform_8(%arg0: i32) -> (i32, i32) {
    %c0_i32 = arith.constant 0 : i32
    %c0_i32_0 = arith.constant 0 : i32
    return %arg0, %c0_i32 : i32, i32
  }
}

</mosaic_0001>

<sc_bundles>
// kernel: kernel.11.cloned.1.call-start
scs
__scs_entry_jumppad:
0x0: {  	(pc) =	sbr.rel $0x88, $3  }
0x1: {  	(tag) =	ssettag $0x0;
	lr =	simm.s32 $0x1  }
0x2: {  	[smem:$0x3F97] =	sst lr;
	_ =	strace $0xD0000000  }
0x3: {  	_ = 	snop  }
0x4: {  	_ = 	snop  }
0x5: {  	_ = 	snop  }
0x6: {  	_ = 	snop  }
0x7: {  	_ = 	snop  }
__scs_overlays_trampoline_lowered:
0x8: {  	[smem:$0x3FA6] =	sst s0  }
0x9: {  	[smem:$0x3FA7] =	sst s1  }
0xa: {  	[smem:$0x3FA8] =	sst s2  }
0xb: {  	[smem:$0x3FA9] =	sst s3  }
0xc: {  	[smem:$0x3FAA] =	sst s4  }
0xd: {  	[smem:$0x3FAB] =	sst s5  }
0xe: {  	[smem:$0x3FAC] =	sst s6  }
0xf: {  	[smem:$0x3FAD] =	sst s7  }
0x10: {  	[smem:$0x3FAE] =	sst s8  }
0x11: {  	[smem:$0x3FAF] =	sst s9;
	s0 =	simm.s32 @!p0 $0x0  }
0x12: {  	s1 =	sld [smem:$0x3F95];
	s0 =	simm.s32 @p0 $0x1  }
0x13: {  	[smem:$0x3FB0] =	sst s0;
	s0 =	simm.s32 @!p1 $0x0  }
0x14: {  	s2 =	sld [smem:$0x3F94];
	s0 =	simm.s32 @p1 $0x1  }
0x15: {  	[smem:$0x3FB1] =	sst s0;
	s0 =	simm.s32 @!p2 $0x0  }
0x16: {  	s3 =	sld [smem:$0x3FDB];
	s0 =	simm.s32 @p2 $0x1  }
0x17: {  	s4 =	simm.s32 $0x1BF5;
	[smem:$0x3FB3] =	sst s0  }
0x18: {  	s0 =	sld [smem:$0x3F96];
	_ =	swait.ge [sflag:s4], $0x0  }
0x19: {  	s7 =	sld [smem:$0x3F97]  }
0x1a: {  	s8 =	sadd.s32 $0xFFFFE003, lr  }
0x1b: {  	s9 =	sadd.s32 $0xFFFFFEF7, lr;
	s5 =	simm.s32 $0xFFFFFFFF;
	p2 =	slt.u32 s8, $0xFFFFF086  }
0x1c: {  	p1 =	slt.u32 s9, $0xF7A;
	s5 =	simm.s32 @!p2 $0x0  }
0x1d: {  	s5 =	simm.s32 @p1 $0x1;
	p0 =	seq.s32 s7, s2  }
0x1e: {  	s7 =	smul.u32 @!p0 $0xF7A, s2;
	p2 =	seq.s32 @!p0 s5, $0x0  }
0x1f: {  	s9 =	smul.u32 $0xF7A, s1;
	s8 =	simm.s32 @!p0 $0x1BF5;
	p2 =	por !p2, p0  }
0x20: {  	[sflag:s8] =	ssyncset.s32 @!p0 $0xFFFFF086;
	s6 =	sadd.s32 @!p0 s3, s7;
	s7 =	simm.s32 @!p0 $0x108  }
0x21: {  	s3 =	sadd.s32 s3, s9;
	s6 =	sadd.s32 @!p0 $0x88, s6;
	s7 =	simm.s32 @p2 $0x1082  }
0x22: {  	[simem:s7], [sflag:s8] =	dma.local @!p0 [hbm:s6], $0xF7A  }
0x23: {  	s9 =	sor.u32 $0xD0000000, s2;
	s6 =	simm.s32 $0x108;
	_ =	swait.ge @!p0 [sflag:s8], $0x0  }
0x24: {  	s3 =	sadd.s32 $0x88, s3;
	s6 =	simm.s32 @!p1 $0x1082;
	[sflag:s4] =	ssyncset.s32 $0xFFFFF086  }
0x25: {  	[simem:s6], [sflag:s4] =	dma.local [hbm:s3], $0xF7A  }
0x26: {  	[smem:$0x3F97] =	sst s1;
	(tag) =	ssettag s2;
	_ =	strace s9  }
0x27: {  	s1 =	sld [smem:$0x3FA7]  }
0x28: {  	s2 =	sld [smem:$0x3FA8]  }
0x29: {  	s4 =	sld [smem:$0x3FAA]  }
0x2a: {  	p0 =	seq.s32 s5, $0x0;
	s5 =	sld [smem:$0x3FAB]  }
0x2b: {  	s6 =	sld [smem:$0x3FAC]  }
0x2c: {  	s7 =	sld [smem:$0x3FAD]  }
0x2d: {  	s3 =	simm.s32 $0x108;
	s8 =	sld [smem:$0x3FAE]  }
0x2e: {  	s3 =	simm.s32 @!p0 $0x1082;
	s9 =	sld [smem:$0x3FAF]  }
0x2f: {  	lr =	sadd.s32 s0, s3;
	s0 =	sld [smem:$0x3FA6]  }
0x30: {  	s3 =	sld [smem:$0x3FA9]  }
0x31: {  	[smem:$0x3FB2] =	sst s10  }
0x32: {  	s10 =	sld [smem:$0x3FB0];
	_ =	sdelay $0x3  }
0x33: {  	p0 =	seq.s32 s10, $0x1;
	s10 =	sld [smem:$0x3FB2];
	_ =	sdelay $0x3  }
0x34: {  	[smem:$0x3FB2] =	sst s10  }
0x35: {  	s10 =	sld [smem:$0x3FB1];
	_ =	sdelay $0x3  }
0x36: {  	p1 =	seq.s32 s10, $0x1;
	s10 =	sld [smem:$0x3FB2];
	_ =	sdelay $0x3  }
0x37: {  	[smem:$0x3FB2] =	sst s10  }
0x38: {  	s10 =	sld [smem:$0x3FB3]  }
0x39: {  	_ = 	snop;
	(pc) =	sbr.ind lr, $3  }
0x3a: {  	_ = 	snop  }
0x3b: {  	_ = 	snop  }
0x3c: {  	p2 =	seq.s32 s10, $0x1;
	s10 =	sld [smem:$0x3FB2]  }
0x3d: {  	_ =	shalt  }
0x3e: {  	_ =	shalt  }
0x3f: {  	_ =	shalt  }
0x40: {  	_ =	shalt  }
0x41: {  	_ =	shalt  }
0x42: {  	_ =	shalt  }
0x43: {  	_ =	shalt  }
0x44: {  	_ =	shalt  }
0x45: {  	_ =	shalt  }
0x46: {  	_ =	shalt  }
0x47: {  	_ =	shalt  }
0x48: {  	_ =	shalt  }
0x49: {  	_ =	shalt  }
0x4a: {  	_ =	shalt  }
0x4b: {  	_ =	shalt  }
0x4c: {  	_ =	shalt  }
0x4d: {  	_ =	shalt  }
0x4e: {  	_ =	shalt  }
0x4f: {  	_ =	shalt  }
0x50: {  	_ =	shalt  }
0x51: {  	_ =	shalt  }
0x52: {  	_ =	shalt  }
0x53: {  	_ =	shalt  }
0x54: {  	_ =	shalt  }
0x55: {  	_ =	shalt  }
0x56: {  	_ =	shalt  }
0x57: {  	_ =	shalt  }
0x58: {  	_ =	shalt  }
0x59: {  	_ =	shalt  }
0x5a: {  	_ =	shalt  }
0x5b: {  	_ =	shalt  }
0x5c: {  	_ =	shalt  }
0x5d: {  	_ =	shalt  }
0x5e: {  	_ =	shalt  }
0x5f: {  	_ =	shalt  }
0x60: {  	_ =	shalt  }
0x61: {  	_ =	shalt  }
0x62: {  	_ =	shalt  }
0x63: {  	_ =	shalt  }
0x64: {  	_ =	shalt  }
0x65: {  	_ =	shalt  }
0x66: {  	_ =	shalt  }
0x67: {  	_ =	shalt  }
0x68: {  	_ =	shalt  }
0x69: {  	_ =	shalt  }
0x6a: {  	_ =	shalt  }
0x6b: {  	_ =	shalt  }
0x6c: {  	_ =	shalt  }
0x6d: {  	_ =	shalt  }
0x6e: {  	_ =	shalt  }
0x6f: {  	_ =	shalt  }
0x70: {  	_ =	shalt  }
0x71: {  	_ =	shalt  }
0x72: {  	_ =	shalt  }
0x73: {  	_ =	shalt  }
0x74: {  	_ =	shalt  }
0x75: {  	_ =	shalt  }
0x76: {  	_ =	shalt  }
0x77: {  	_ =	shalt  }
0x78: {  	_ =	shalt  }
0x79: {  	_ =	shalt  }
0x7a: {  	_ =	shalt  }
0x7b: {  	_ =	shalt  }
0x7c: {  	_ =	shalt  }
0x7d: {  	_ =	shalt  }
0x7e: {  	_ =	shalt  }
0x7f: {  	_ =	shalt  }
0x80: {  	_ =	shalt  }
0x81: {  	_ =	shalt  }
0x82: {  	_ =	shalt  }
0x83: {  	_ =	shalt  }
0x84: {  	_ =	shalt  }
0x85: {  	_ =	shalt  }
0x86: {  	_ =	shalt  }
0x87: {  	_ =	shalt  }
.Lfunc_end0:
.L_simem_size_0:
called_computation.1_lowered:
.L_overlay_start_0:
0x88: {  	s2 =	sld [smem:$0x3FD9]  }
0x89: {  	s3 =	sld [smem:$0x3FFE];
	_ =	sdelay $0x1  }
0x8a: {  	s1 =	srdreg.scid  }
0x8b: {  	s0 =	sand.u32 $0x1, s1  }
0x8c: {  	s16 =	sshll.u32 s0, $0xA;
	s2 =	sadd.s32 s3, s2  }
0x8d: {  	s2 =	sadd.s32 s2, s16  }
0x8e: {  	[smem:$0x3FBE] =	sst s2  }
0x8f: {  	_ = 	snop  }
0x90: {  	(tm) =	ssettm $0x1  }
0x91: {  	s17 =	sld [smem:$0x3FFB];
	_ =	sdelay $0x3  }
0x92: {  	_ =	strace s17  }
0x93: {  	s2 =	sld [smem:$0x3FFC];
	_ =	sdelay $0x3  }
0x94: {  	_ =	strace s2  }
0x95: {  	s2 =	sld [smem:$0x3FFD];
	_ =	sdelay $0x3  }
0x96: {  	_ =	strace s2  }
0x97: {  	_ =	strace $0x8FFFFFFF  }
0x98: {  	s18 =	sld [smem:$0x3FDB];
	_ =	sdelay $0x1  }
0x99: {  	s19 =	simm.s32 $_scs_section_size  }
0x9a: {  	s4 =	simm.s32 $_size__tile_overlayer_lowered;
	s5 =	simm.s32 $_tile_overlayer_lowered  }
0x9b: {  	s22 =	simm.s32 $0x1BFF;
	s21 =	sshll.u32 s5, $0x1;
	s2 =	sadd.s32 s19, s18  }
0x9c: {  	s6 =	simm.s32 $0x0;
	s20 =	sshll.u32 s4, $0x1;
	s4 =	sadd.s32 s21, s2  }
0x9d: {  	[timem:s6], [sflag:s22] =	dma.local [hbm:s4], s20  }
0x9e: {  	_ =	swait.ge [sflag:s22], s20  }
0x9f: {  	s3 =	ssub.s32 $0x0, s20;
	[sflag:s22] =	ssyncset.done $0x0  }
0xa0: {  	[sflag:s22] =	ssyncadd.s32 s3;
	_ =	sdelay $0x1  }
0xa1: {  	s23 =	simm.s32 $0x1B8B  }
0xa2: {  	_ =	swait.ge [sflag:s23], $0x1  }
0xa3: {  	[sflag:s23] =	ssyncset.done $0x0  }
0xa4: {  	s25 =	simm.s32 $0x1B8E;
	s24 =	sld [smem:$0x3FFE];
	[sflag:s23] =	ssyncadd.s32 $0xFFFFFFFF  }
0xa5: {  	s26 =	simm.s32 $execute0_lowered;
	[smem:$0x3FD2] =	sst s25  }
0xa6: {  	s4 =	sshll.u32 s26, $0x1;
	_ =	strace $0x80000049;
	[dreg:$0x1] =	wrdreg $0xFFFFFFFF  }
0xa7: {  	s28 =	simm.s32 $_size_execute0_lowered;
	s2 =	sadd.s32 s2, s4;
	[dreg:$0x0] =	wrdreg $0x0  }
0xa8: {  	s4 =	sshll.u32 s28, $0x1;
	[dreg:$0x2] =	wrdreg s2  }
0xa9: {  	[dreg:$0x3] =	wrdreg s4  }
0xaa: {  	[dreg:$0x4] =	wrdreg $0xC0  }
0xab: {  	_ =	task [dreg:s6], $0x5FFFF  }
0xac: {  	[dreg:$0x1] =	wrdreg $0xFFFFFFFF  }
0xad: {  	[dreg:$0x0] =	wrdreg $0x60  }
0xae: {  	[dreg:$0x2] =	wrdreg s24  }
0xaf: {  	[dreg:$0x3] =	wrdreg $0x151000  }
0xb0: {  	[dreg:$0x4] =	wrdreg $0xB1000  }
0xb1: {  	[dreg:$0x5] =	wrdreg $0x9  }
0xb2: {  	_ =	task.clear_ibuf [dreg:s6], $0x6FFFF;
	_ =	strace $0x90000049  }
0xb3: {  	s29 =	simm.s32 $0x9;
	_ =	strace $0x8000004B  }
0xb4: {  	_ =	swait.ge [sflag:s29], $0x1  }
0xb5: {  	[sflag:s29] =	ssyncadd.s32 $0xFFFFFFFF  }
0xb6: {  	_ =	strace $0x9000004B  }
0xb7: {  	_ =	sfence  }
0xb8: {  	s30 =	sld [smem:$0x0];
	_ =	sdelay $0x2  }
0xb9: {  	s31 =	sshll.u32 s1, $0xD;
	s1 =	sshrl.u32 s1, $0x2  }
0xba: {  	s3 =	sand.u32 $0x4000, s31;
	s1 =	sadd.s32 s1, s30  }
0xbb: {  	s0 =	sor.u32 s3, s0;
	s1 =	sshll.u32 s1, $0x11  }
0xbc: {  	s0 =	sor.u32 s1, s0  }
0xbd: {  	s0 =	sadd.s32 $0x8F2B, s0  }
0xbe: {  	[sflag:s0] =	ssyncadd.remote.s32 $0x1  }
0xbf: {  	_ =	sfence.sel $0xFFFF  }
0xc0: {  	[dreg:$0x0] =	wrdreg $0xFFFFFFFF;
	(pc) =	sbr.abs _section_cstart, $3  }
0xc1: {  	[dreg:$0x1] =	wrdreg $0xFFFFFFFF  }
0xc2: {  	_ =	task.clear_ibuf [dreg:s6], $0x2FFFF;
	_ =	strace $0x9FFFFFFF  }
0xc3: {  	(tm) =	ssettm $0x7FFFFFFF  }
tec
execute0_lowered:
.L_overlay_start_1:
0x0: {  	(tag) =	ssettag $0x1  }
0x1: {  	s0 =	rddreg [dreg:$0x0]  }
0x2: {  	s2 =	rddreg [dreg:$0x1]  }
0x3: {  	s3 =	rddreg [dreg:$0x2]  }
0x4: {  	s1 =	srdreg.scid;
	s11 =	stileid.u32  }
0x5: {  	s4 =	simm.s32 $0x0;
	s17 =	simm.s32 $0x4;
	s18 =	simm.s32 $0x5  }
0x6: {  	s19 =	simm.s32 $0x6;
	s20 =	simm.s32 $0x7;
	s21 =	simm.s32 $0x80  }
0x7: {  	s22 =	simm.s32 $0x5100;
	s23 =	simm.s32 $0x7100;
	s25 =	simm.s32 $0x9100  }
0x8: {  	s28 =	simm.s32 $0x8;
	s29 =	simm.s32 $0x2;
	s30 =	simm.s32 $0x3  }
0x9: {  	s16 =	simm.s32 $0x0;
	s1 =	sand.u32 $0x1, s1;
	s8 =	smul.u32 $0xA000, s11  }
0xa: {  	[smem:$0x7FF] =	sst s4;
	s5 =	sshll.u32 s1, $0x4;
	s6 =	smul.u32 $0xA0000, s1  }
0xb: {  	_ =	strace $0x8000004A;
	s1 =	ssub.s32 $0x2, s1;
	s5 =	sor.u32 s11, s5  }
0xc: {  	s7 =	sshrl.u32 s8, $0x3;
	s31 =	sshrl.u32 s1, $0x1;
	s13 =	sadd.s32 s8, s2  }
0xd: {  	s15 =	sadd.s32 s8, s3;
	s5 =	smul.u32 $0x510, s5;
	s9 =	sadd.s32 s7, s0  }
0xe: {  	s6 =	sadd.s32 s8, s6;
	s1 =	ssub.s32 s1, s31;
	s13 =	sshrl.u32 s13, $0x3  }
0xf: {  	s15 =	sshrl.u32 s15, $0x3;
	s26 =	sshrl.u32 s6, $0x3;
	s6 =	sadd.s32 $0x2A800, s9  }
0x10: {  	s8 =	sadd.s32 $0x16800, s9;
	s12 =	smax.u32 s1, $0x1;
	s1 =	simm.s32 $0x5080  }
0x11: {  	s10 =	sadd.s32 s5, s0;
	s0 =	sadd.s32 s26, s0;
	s5 =	sshll.u32 s11, $0x6  }
0x12: {  	s26 =	simm.s32 $0x1;
	s7 =	sor.u32 $0x1C04, s5;
	s9 =	sadd.s32 $0xC600, s10  }
0x13: {  	s10 =	sadd.s32 $0x1A00, s10;
	s11 =	sadd.s32 $0x3E800, s0;
	s14 =	sor.u32 $0x1C05, s5  }
.LBB2_1:
0x14: {  	[spmem:s13], [sflag:s7] =	dma.local [hbm:s6], $0x1400  }
0x15: {  	[spmem:s15], [sflag:s14] =	dma.local [hbm:s8], $0x1400  }
0x16: {  	[tilespmem:s4], [sflag:$0x6] =	stream.linear.gather [hbm4b:s9+s4], $0x2880, $0x38;
	[tilespmem:$0x1F100] =	vst v63  }
0x17: {  	s0 =	simm.s32 $0x2880  }
0x18: {  	[tilespmem:s0], [sflag:$0x7] =	stream.linear.gather [hbm4b:s10+s4], $0x2880, $0x38;
	[tilespmem:$0x1F100] =	vst v63  }
0x19: {  	_ =	swait.ge [sflag:s17], $0x1400  }
0x1a: {  	[sflag:s17] =	ssyncset.done $0x0  }
0x1b: {  	[sflag:s17] =	ssyncadd.s32 $0xFFFFEC00  }
0x1c: {  	_ =	swait.ge [sflag:s18], $0x1400  }
0x1d: {  	[sflag:s18] =	ssyncset.done $0x0  }
0x1e: {  	[sflag:s18] =	ssyncadd.s32 $0xFFFFEC00  }
0x1f: {  	_ =	swait.ge [sflag:s19], $0x2880  }
0x20: {  	[sflag:s19] =	ssyncset.done $0x0  }
0x21: {  	[sflag:s19] =	ssyncadd.s32 $0xFFFFD780  }
0x22: {  	_ =	swait.ge [sflag:s20], $0x2880  }
0x23: {  	[sflag:s20] =	ssyncset.done $0x0  }
0x24: {  	[sflag:s20] =	ssyncadd.s32 $0xFFFFD780  }
0x25: {  	[bflag:$0x0] =	sbarrier.arrive $0xFFFF  }
0x26: {  	[tilespmem:s22], [sflag:$0x1] =	stream.indirect.gather [spmem:s3], $0x40, s4, s21, $0xb8;
	[tilespmem:$0x1F100] =	vst v63  }
0x27: {  	_ = 	snop  }
0x28: {  	[tilespmem:s23], [sflag:$0x2] =	stream.indirect.gather [spmem:s3], $0x40, s21, s21, $0xb8;
	[tilespmem:$0x1F100] =	vst v63  }
0x29: {  	s24 =	simm.s32 $0x100  }
0x2a: {  	[tilespmem:s25], [sflag:$0x3] =	stream.indirect.gather [spmem:s3], $0x40, s24, s21, $0xb8;
	[tilespmem:$0x1F100] =	vst v63  }
0x2b: {  	_ =	swait.ge [sflag:s26], $0x2000  }
0x2c: {  	[sflag:s26] =	ssyncset.done $0x0  }
0x2d: {  	s24 =	simm.s32 $0x2880;
	[sflag:s26] =	ssyncadd.s32 $0xFFFFE000  }
0x2e: {  	[spmem:s2] =	stream.indirect.scatter.add.f32 [tilespmem:s22], [sflag:$0x8], $0x40, s24, s21, $0xb8;
	[tilespmem:$0x1F100] =	vst v63  }
0x2f: {  	_ =	swait.ge [sflag:s28], $0x2000  }
0x30: {  	[sflag:s28] =	ssyncset.done $0x0  }
0x31: {  	s0 =	simm.s32 $0x180;
	[sflag:s28] =	ssyncadd.s32 $0xFFFFE000  }
0x32: {  	[tilespmem:s22], [sflag:$0x1] =	stream.indirect.gather [spmem:s3], $0x40, s0, s21, $0xb8;
	[tilespmem:$0x1F100] =	vst v63  }
0x33: {  	_ =	swait.ge [sflag:s29], $0x2000  }
0x34: {  	[sflag:s29] =	ssyncset.done $0x0  }
0x35: {  	s0 =	simm.s32 $0x2900;
	[sflag:s29] =	ssyncadd.s32 $0xFFFFE000  }
0x36: {  	[spmem:s2] =	stream.indirect.scatter.add.f32 [tilespmem:s23], [sflag:$0x8], $0x40, s0, s21, $0xb8;
	[tilespmem:$0x1F100] =	vst v63  }
0x37: {  	_ =	swait.ge [sflag:s28], $0x2000  }
0x38: {  	[sflag:s28] =	ssyncset.done $0x0  }
0x39: {  	s0 =	simm.s32 $0x200;
	[sflag:s28] =	ssyncadd.s32 $0xFFFFE000  }
0x3a: {  	[tilespmem:s23], [sflag:$0x2] =	stream.indirect.gather [spmem:s3], $0x40, s0, s21, $0xb8;
	[tilespmem:$0x1F100] =	vst v63  }
0x3b: {  	_ =	swait.ge [sflag:s30], $0x2000  }
0x3c: {  	[sflag:s30] =	ssyncset.done $0x0  }
0x3d: {  	s0 =	simm.s32 $0x2980;
	[sflag:s30] =	ssyncadd.s32 $0xFFFFE000  }
0x3e: {  	[spmem:s2] =	stream.indirect.scatter.add.f32 [tilespmem:s25], [sflag:$0x8], $0x40, s0, s21, $0xb8;
	[tilespmem:$0x1F100] =	vst v63  }
0x3f: {  	_ =	swait.ge [sflag:s28], $0x2000  }
0x40: {  	[sflag:s28] =	ssyncset.done $0x0  }
0x41: {  	s31 =	simm.s32 $0x280;
	s24 =	simm.s32 $0x600;
	[sflag:s28] =	ssyncadd.s32 $0xFFFFE000  }
.LBB2_2:
0x42: {  	[tilespmem:s25], [sflag:$0x3] =	stream.indirect.gather [spmem:s3], $0x40, s31, s21, $0xb8;
	[tilespmem:$0x1F100] =	vst v63  }
0x43: {  	s31 =	smov.u32 s24  }
0x44: {  	p0 =	sne.s32 s24, $0x9600;
	s24 =	sadd.s32 $0x600, s24;
	_ =	swait.ge [sflag:s26], $0x2000  }
0x45: {  	s31 =	sshra.s32 s31, $0x2;
	[sflag:s26] =	ssyncset.done $0x0  }
0x46: {  	s0 =	sadd.s32 $0x2880, s31;
	[sflag:s26] =	ssyncadd.s32 $0xFFFFE000  }
0x47: {  	[spmem:s2] =	stream.indirect.scatter.add.f32 [tilespmem:s22], [sflag:$0x8], $0x40, s0, s21, $0xb8;
	[tilespmem:$0x1F100] =	vst v63  }
0x48: {  	_ =	swait.ge [sflag:s28], $0x2000  }
0x49: {  	[sflag:s28] =	ssyncset.done $0x0  }
0x4a: {  	s0 =	sadd.s32 $0x180, s31;
	[sflag:s28] =	ssyncadd.s32 $0xFFFFE000  }
0x4b: {  	[tilespmem:s22], [sflag:$0x1] =	stream.indirect.gather [spmem:s3], $0x40, s0, s21, $0xb8;
	[tilespmem:$0x1F100] =	vst v63  }
0x4c: {  	_ =	swait.ge [sflag:s29], $0x2000  }
0x4d: {  	[sflag:s29] =	ssyncset.done $0x0  }
0x4e: {  	s0 =	sadd.s32 $0x2900, s31;
	[sflag:s29] =	ssyncadd.s32 $0xFFFFE000  }
0x4f: {  	[spmem:s2] =	stream.indirect.scatter.add.f32 [tilespmem:s23], [sflag:$0x8], $0x40, s0, s21, $0xb8;
	[tilespmem:$0x1F100] =	vst v63  }
0x50: {  	_ =	swait.ge [sflag:s28], $0x2000  }
0x51: {  	[sflag:s28] =	ssyncset.done $0x0  }
0x52: {  	s0 =	sadd.s32 $0x200, s31;
	[sflag:s28] =	ssyncadd.s32 $0xFFFFE000  }
0x53: {  	[tilespmem:s23], [sflag:$0x2] =	stream.indirect.gather [spmem:s3], $0x40, s0, s21, $0xb8;
	[tilespmem:$0x1F100] =	vst v63  }
0x54: {  	_ =	swait.ge [sflag:s30], $0x2000  }
0x55: {  	[sflag:s30] =	ssyncset.done $0x0  }
.Ltmp0:
0x56: {  	s0 =	sadd.s32 $0x2980, s31;
	[sflag:s30] =	ssyncadd.s32 $0xFFFFE000;
	(pc) =	sbr.rel @p0 .LBB2_2-.Ltmp0, $4  }
0x57: {  	[spmem:s2] =	stream.indirect.scatter.add.f32 [tilespmem:s25], [sflag:$0x8], $0x40, s0, s21, $0xb8;
	[tilespmem:$0x1F100] =	vst v63  }
0x58: {  	_ =	swait.ge [sflag:s28], $0x2000  }
0x59: {  	[sflag:s28] =	ssyncset.done $0x0  }
0x5a: {  	s31 =	sadd.s32 $0x280, s31;
	[sflag:s28] =	ssyncadd.s32 $0xFFFFE000  }
0x5b: {  	[tilespmem:s25], [sflag:$0x3] =	stream.indirect.gather [spmem:s3], $0x40, s31, s21, $0xb8;
	[tilespmem:$0x1F100] =	vst v63  }
0x5c: {  	_ =	swait.ge [sflag:s26], $0x2000  }
0x5d: {  	[sflag:s26] =	ssyncset.done $0x0  }
0x5e: {  	s0 =	simm.s32 $0x4F80;
	[sflag:s26] =	ssyncadd.s32 $0xFFFFE000  }
0x5f: {  	[spmem:s2] =	stream.indirect.scatter.add.f32 [tilespmem:s22], [sflag:$0x8], $0x40, s0, s21, $0xb8;
	[tilespmem:$0x1F100] =	vst v63  }
0x60: {  	_ =	swait.ge [sflag:s28], $0x2000  }
0x61: {  	[sflag:s28] =	ssyncset.done $0x0  }
0x62: {  	[sflag:s28] =	ssyncadd.s32 $0xFFFFE000  }
0x63: {  	_ =	swait.ge [sflag:s29], $0x2000  }
0x64: {  	[sflag:s29] =	ssyncset.done $0x0  }
0x65: {  	s24 =	simm.s32 $0x5000;
	[sflag:s29] =	ssyncadd.s32 $0xFFFFE000  }
0x66: {  	[spmem:s2] =	stream.indirect.scatter.add.f32 [tilespmem:s23], [sflag:$0x8], $0x40, s24, s21, $0xb8;
	[tilespmem:$0x1F100] =	vst v63  }
0x67: {  	_ =	swait.ge [sflag:s28], $0x2000  }
0x68: {  	[sflag:s28] =	ssyncset.done $0x0  }
0x69: {  	[sflag:s28] =	ssyncadd.s32 $0xFFFFE000  }
0x6a: {  	_ =	swait.ge [sflag:s30], $0x2000  }
0x6b: {  	[sflag:s30] =	ssyncset.done $0x0  }
0x6c: {  	[sflag:s30] =	ssyncadd.s32 $0xFFFFE000  }
0x6d: {  	[spmem:s2] =	stream.indirect.scatter.add.f32 [tilespmem:s25], [sflag:$0x8], $0x40, s1, s21, $0xb8;
	[tilespmem:$0x1F100] =	vst v63  }
0x6e: {  	_ =	swait.ge [sflag:s28], $0x2000  }
0x6f: {  	s16 =	sadd.s32 $0x1, s16;
	[sflag:s28] =	ssyncset.done $0x0  }
0x70: {  	p0 =	sne.s32 s16, s12;
	[sflag:s28] =	ssyncadd.s32 $0xFFFFE000  }
.Ltmp1:
0x71: {  	s31 =	sor.u32 $0x1C08, s5;
	[bflag:$0x0] =	sbarrier.arrive $0xFFFF;
	(pc) =	sbr.rel @p0 .LBB2_1-.Ltmp1, $4  }
0x72: {  	[hbm:s11], [sflag:s31] =	dma.local [spmem:s13], $0x1400  }
0x73: {  	_ =	swait.ge [sflag:s28], $0x1400  }
0x74: {  	[sflag:s28] =	ssyncset.done $0x0  }
0x75: {  	[sflag:s28] =	ssyncadd.s32 $0xFFFFEC00  }
0x76: {  	_ =	sfence.sel $0x180000  }
0x77: {  	[bflag:$0x0] =	sbarrier.arrive $0xFFFF  }
0x78: {  	_ =	strace $0x9000004A  }
0x79: {  	s0 =	stileid.u32;
	[bflag:$0x2] =	sbarrier.arrive $0xFFFF  }
0x7a: {  	p0 =	sne.s32 s0, $0x0;
	s0 =	rddreg [dreg:$0x3]  }
0x7b: {  	s0 =	sadd.s32 @!p0 $0x100000, s0  }
0x7c: {  	[sflag:s0] =	ssyncadd.tile.s32 @!p0 $0x1;
	_ =	shalt  }
.Lfunc_end2:
_tile_overlayer_lowered:
.L_overlay_start_2:
0x7d: {  	(tag) =	ssettag $0x2  }
0x7e: {  	s0 =	rddreg [dreg:$0x0];
	s2 =	stileid.u32  }
0x7f: {  	s1 =	rddreg [dreg:$0x1];
	p0 =	sne.s32 s2, $0x0  }
0x80: {  	s3 =	rddreg [dreg:$0x2];
	[bflag:$0x3] =	sbarrier.arrive $0xFFFF;
	s2 =	simm.s32 @!p0 $0x1C08  }
0x81: {  	[timem:s3], [sflag:s2] =	dma.local @!p0 [hbm:s0], s1  }
0x82: {  	s0 =	simm.s32 @!p0 $0x8  }
0x83: {  	_ =	swait.ge @!p0 [sflag:s0], s1  }
0x84: {  	s1 =	ssub.s32 @!p0 $0x0, s1;
	[sflag:s0] =	ssyncset.done @!p0 $0x0  }
0x85: {  	[sflag:s0] =	ssyncadd.s32 @!p0 s1  }
0x86: {  	[bflag:$0x3] =	sbarrier.arrive $0xFFFF  }
0x87: {  	_ =	shalt  }

// kernel: kernel.14.cloned.1.call-start
scs
__scs_entry_jumppad:
0x0: {  	(pc) =	sbr.rel $0x88, $3  }
0x1: {  	(tag) =	ssettag $0x0;
	lr =	simm.s32 $0x1  }
0x2: {  	[smem:$0x3F97] =	sst lr;
	_ =	strace $0xD0000000  }
0x3: {  	_ = 	snop  }
0x4: {  	_ = 	snop  }
0x5: {  	_ = 	snop  }
0x6: {  	_ = 	snop  }
0x7: {  	_ = 	snop  }
__scs_overlays_trampoline_lowered:
0x8: {  	[smem:$0x3FA6] =	sst s0  }
0x9: {  	[smem:$0x3FA7] =	sst s1  }
0xa: {  	[smem:$0x3FA8] =	sst s2  }
0xb: {  	[smem:$0x3FA9] =	sst s3  }
0xc: {  	[smem:$0x3FAA] =	sst s4  }
0xd: {  	[smem:$0x3FAB] =	sst s5  }
0xe: {  	[smem:$0x3FAC] =	sst s6  }
0xf: {  	[smem:$0x3FAD] =	sst s7  }
0x10: {  	[smem:$0x3FAE] =	sst s8  }
0x11: {  	[smem:$0x3FAF] =	sst s9;
	s0 =	simm.s32 @!p0 $0x0  }
0x12: {  	s1 =	sld [smem:$0x3F95];
	s0 =	simm.s32 @p0 $0x1  }
0x13: {  	[smem:$0x3FB0] =	sst s0;
	s0 =	simm.s32 @!p1 $0x0  }
0x14: {  	s2 =	sld [smem:$0x3F94];
	s0 =	simm.s32 @p1 $0x1  }
0x15: {  	[smem:$0x3FB1] =	sst s0;
	s0 =	simm.s32 @!p2 $0x0  }
0x16: {  	s3 =	sld [smem:$0x3FDB];
	s0 =	simm.s32 @p2 $0x1  }
0x17: {  	s4 =	simm.s32 $0x1BF5;
	[smem:$0x3FB3] =	sst s0  }
0x18: {  	s0 =	sld [smem:$0x3F96];
	_ =	swait.ge [sflag:s4], $0x0  }
0x19: {  	s7 =	sld [smem:$0x3F97]  }
0x1a: {  	s8 =	sadd.s32 $0xFFFFE003, lr  }
0x1b: {  	s9 =	sadd.s32 $0xFFFFFEF7, lr;
	s5 =	simm.s32 $0xFFFFFFFF;
	p2 =	slt.u32 s8, $0xFFFFF086  }
0x1c: {  	p1 =	slt.u32 s9, $0xF7A;
	s5 =	simm.s32 @!p2 $0x0  }
0x1d: {  	s5 =	simm.s32 @p1 $0x1;
	p0 =	seq.s32 s7, s2  }
0x1e: {  	s7 =	smul.u32 @!p0 $0xF7A, s2;
	p2 =	seq.s32 @!p0 s5, $0x0  }
0x1f: {  	s9 =	smul.u32 $0xF7A, s1;
	s8 =	simm.s32 @!p0 $0x1BF5;
	p2 =	por !p2, p0  }
0x20: {  	[sflag:s8] =	ssyncset.s32 @!p0 $0xFFFFF086;
	s6 =	sadd.s32 @!p0 s3, s7;
	s7 =	simm.s32 @!p0 $0x108  }
0x21: {  	s3 =	sadd.s32 s3, s9;
	s6 =	sadd.s32 @!p0 $0x88, s6;
	s7 =	simm.s32 @p2 $0x1082  }
0x22: {  	[simem:s7], [sflag:s8] =	dma.local @!p0 [hbm:s6], $0xF7A  }
0x23: {  	s9 =	sor.u32 $0xD0000000, s2;
	s6 =	simm.s32 $0x108;
	_ =	swait.ge @!p0 [sflag:s8], $0x0  }
0x24: {  	s3 =	sadd.s32 $0x88, s3;
	s6 =	simm.s32 @!p1 $0x1082;
	[sflag:s4] =	ssyncset.s32 $0xFFFFF086  }
0x25: {  	[simem:s6], [sflag:s4] =	dma.local [hbm:s3], $0xF7A  }
0x26: {  	[smem:$0x3F97] =	sst s1;
	(tag) =	ssettag s2;
	_ =	strace s9  }
0x27: {  	s1 =	sld [smem:$0x3FA7]  }
0x28: {  	s2 =	sld [smem:$0x3FA8]  }
0x29: {  	s4 =	sld [smem:$0x3FAA]  }
0x2a: {  	p0 =	seq.s32 s5, $0x0;
	s5 =	sld [smem:$0x3FAB]  }
0x2b: {  	s6 =	sld [smem:$0x3FAC]  }
0x2c: {  	s7 =	sld [smem:$0x3FAD]  }
0x2d: {  	s3 =	simm.s32 $0x108;
	s8 =	sld [smem:$0x3FAE]  }
0x2e: {  	s3 =	simm.s32 @!p0 $0x1082;
	s9 =	sld [smem:$0x3FAF]  }
0x2f: {  	lr =	sadd.s32 s0, s3;
	s0 =	sld [smem:$0x3FA6]  }
0x30: {  	s3 =	sld [smem:$0x3FA9]  }
0x31: {  	[smem:$0x3FB2] =	sst s10  }
0x32: {  	s10 =	sld [smem:$0x3FB0];
	_ =	sdelay $0x3  }
0x33: {  	p0 =	seq.s32 s10, $0x1;
	s10 =	sld [smem:$0x3FB2];
	_ =	sdelay $0x3  }
0x34: {  	[smem:$0x3FB2] =	sst s10  }
0x35: {  	s10 =	sld [smem:$0x3FB1];
	_ =	sdelay $0x3  }
0x36: {  	p1 =	seq.s32 s10, $0x1;
	s10 =	sld [smem:$0x3FB2];
	_ =	sdelay $0x3  }
0x37: {  	[smem:$0x3FB2] =	sst s10  }
0x38: {  	s10 =	sld [smem:$0x3FB3]  }
0x39: {  	_ = 	snop;
	(pc) =	sbr.ind lr, $3  }
0x3a: {  	_ = 	snop  }
0x3b: {  	_ = 	snop  }
0x3c: {  	p2 =	seq.s32 s10, $0x1;
	s10 =	sld [smem:$0x3FB2]  }
0x3d: {  	_ =	shalt  }
0x3e: {  	_ =	shalt  }
0x3f: {  	_ =	shalt  }
0x40: {  	_ =	shalt  }
0x41: {  	_ =	shalt  }
0x42: {  	_ =	shalt  }
0x43: {  	_ =	shalt  }
0x44: {  	_ =	shalt  }
0x45: {  	_ =	shalt  }
0x46: {  	_ =	shalt  }
0x47: {  	_ =	shalt  }
0x48: {  	_ =	shalt  }
0x49: {  	_ =	shalt  }
0x4a: {  	_ =	shalt  }
0x4b: {  	_ =	shalt  }
0x4c: {  	_ =	shalt  }
0x4d: {  	_ =	shalt  }
0x4e: {  	_ =	shalt  }
0x4f: {  	_ =	shalt  }
0x50: {  	_ =	shalt  }
0x51: {  	_ =	shalt  }
0x52: {  	_ =	shalt  }
0x53: {  	_ =	shalt  }
0x54: {  	_ =	shalt  }
0x55: {  	_ =	shalt  }
0x56: {  	_ =	shalt  }
0x57: {  	_ =	shalt  }
0x58: {  	_ =	shalt  }
0x59: {  	_ =	shalt  }
0x5a: {  	_ =	shalt  }
0x5b: {  	_ =	shalt  }
0x5c: {  	_ =	shalt  }
0x5d: {  	_ =	shalt  }
0x5e: {  	_ =	shalt  }
0x5f: {  	_ =	shalt  }
0x60: {  	_ =	shalt  }
0x61: {  	_ =	shalt  }
0x62: {  	_ =	shalt  }
0x63: {  	_ =	shalt  }
0x64: {  	_ =	shalt  }
0x65: {  	_ =	shalt  }
0x66: {  	_ =	shalt  }
0x67: {  	_ =	shalt  }
0x68: {  	_ =	shalt  }
0x69: {  	_ =	shalt  }
0x6a: {  	_ =	shalt  }
0x6b: {  	_ =	shalt  }
0x6c: {  	_ =	shalt  }
0x6d: {  	_ =	shalt  }
0x6e: {  	_ =	shalt  }
0x6f: {  	_ =	shalt  }
0x70: {  	_ =	shalt  }
0x71: {  	_ =	shalt  }
0x72: {  	_ =	shalt  }
0x73: {  	_ =	shalt  }
0x74: {  	_ =	shalt  }
0x75: {  	_ =	shalt  }
0x76: {  	_ =	shalt  }
0x77: {  	_ =	shalt  }
0x78: {  	_ =	shalt  }
0x79: {  	_ =	shalt  }
0x7a: {  	_ =	shalt  }
0x7b: {  	_ =	shalt  }
0x7c: {  	_ =	shalt  }
0x7d: {  	_ =	shalt  }
0x7e: {  	_ =	shalt  }
0x7f: {  	_ =	shalt  }
0x80: {  	_ =	shalt  }
0x81: {  	_ =	shalt  }
0x82: {  	_ =	shalt  }
0x83: {  	_ =	shalt  }
0x84: {  	_ =	shalt  }
0x85: {  	_ =	shalt  }
0x86: {  	_ =	shalt  }
0x87: {  	_ =	shalt  }
.Lfunc_end0:
.L_simem_size_0:
called_computation.2_lowered:
.L_overlay_start_0:
0x88: {  	s2 =	sld [smem:$0x3FD9]  }
0x89: {  	s3 =	sld [smem:$0x3FFE];
	_ =	sdelay $0x1  }
0x8a: {  	s1 =	srdreg.scid  }
0x8b: {  	s0 =	sand.u32 $0x1, s1  }
0x8c: {  	s16 =	sshll.u32 s0, $0xA;
	s2 =	sadd.s32 s3, s2  }
0x8d: {  	s2 =	sadd.s32 s2, s16  }
0x8e: {  	[smem:$0x3FBE] =	sst s2  }
0x8f: {  	_ = 	snop  }
0x90: {  	(tm) =	ssettm $0x1  }
0x91: {  	s17 =	sld [smem:$0x3FFB];
	_ =	sdelay $0x3  }
0x92: {  	_ =	strace s17  }
0x93: {  	s2 =	sld [smem:$0x3FFC];
	_ =	sdelay $0x3  }
0x94: {  	_ =	strace s2  }
0x95: {  	s2 =	sld [smem:$0x3FFD];
	_ =	sdelay $0x3  }
0x96: {  	_ =	strace s2  }
0x97: {  	_ =	strace $0x8FFFFFFF  }
0x98: {  	s18 =	sld [smem:$0x3FDB];
	_ =	sdelay $0x1  }
0x99: {  	s19 =	simm.s32 $_scs_section_size  }
0x9a: {  	s4 =	simm.s32 $_size__tile_overlayer_lowered;
	s5 =	simm.s32 $_tile_overlayer_lowered  }
0x9b: {  	s22 =	simm.s32 $0x1BFF;
	s21 =	sshll.u32 s5, $0x1;
	s2 =	sadd.s32 s19, s18  }
0x9c: {  	s6 =	simm.s32 $0x0;
	s20 =	sshll.u32 s4, $0x1;
	s4 =	sadd.s32 s21, s2  }
0x9d: {  	[timem:s6], [sflag:s22] =	dma.local [hbm:s4], s20  }
0x9e: {  	_ =	swait.ge [sflag:s22], s20  }
0x9f: {  	s3 =	ssub.s32 $0x0, s20;
	[sflag:s22] =	ssyncset.done $0x0  }
0xa0: {  	[sflag:s22] =	ssyncadd.s32 s3;
	_ =	sdelay $0x1  }
0xa1: {  	s23 =	simm.s32 $0x1B8B  }
0xa2: {  	_ =	swait.ge [sflag:s23], $0x1  }
0xa3: {  	[sflag:s23] =	ssyncset.done $0x0  }
0xa4: {  	s25 =	simm.s32 $0x1B8E;
	s24 =	sld [smem:$0x3FFE];
	[sflag:s23] =	ssyncadd.s32 $0xFFFFFFFF  }
0xa5: {  	s26 =	simm.s32 $execute0_lowered;
	[smem:$0x3FD2] =	sst s25  }
0xa6: {  	s4 =	sshll.u32 s26, $0x1;
	_ =	strace $0x8000004C;
	[dreg:$0x1] =	wrdreg $0xFFFFFFFF  }
0xa7: {  	s28 =	simm.s32 $_size_execute0_lowered;
	s2 =	sadd.s32 s2, s4;
	[dreg:$0x0] =	wrdreg $0x0  }
0xa8: {  	s4 =	sshll.u32 s28, $0x1;
	[dreg:$0x2] =	wrdreg s2  }
0xa9: {  	[dreg:$0x3] =	wrdreg s4  }
0xaa: {  	[dreg:$0x4] =	wrdreg $0xC0  }
0xab: {  	_ =	task [dreg:s6], $0x5FFFF  }
0xac: {  	[dreg:$0x1] =	wrdreg $0xFFFFFFFF  }
0xad: {  	[dreg:$0x0] =	wrdreg $0x60  }
0xae: {  	[dreg:$0x2] =	wrdreg s24  }
0xaf: {  	[dreg:$0x3] =	wrdreg $0x151000  }
0xb0: {  	[dreg:$0x4] =	wrdreg $0xB1000  }
0xb1: {  	[dreg:$0x5] =	wrdreg $0x9  }
0xb2: {  	_ =	task.clear_ibuf [dreg:s6], $0x6FFFF;
	_ =	strace $0x9000004C  }
0xb3: {  	s29 =	simm.s32 $0x9;
	_ =	strace $0x8000004E  }
0xb4: {  	_ =	swait.ge [sflag:s29], $0x1  }
0xb5: {  	[sflag:s29] =	ssyncadd.s32 $0xFFFFFFFF  }
0xb6: {  	_ =	strace $0x9000004E  }
0xb7: {  	_ =	sfence  }
0xb8: {  	s30 =	sld [smem:$0x0];
	_ =	sdelay $0x2  }
0xb9: {  	s31 =	sshll.u32 s1, $0xD;
	s1 =	sshrl.u32 s1, $0x2  }
0xba: {  	s3 =	sand.u32 $0x4000, s31;
	s1 =	sadd.s32 s1, s30  }
0xbb: {  	s0 =	sor.u32 s3, s0;
	s1 =	sshll.u32 s1, $0x11  }
0xbc: {  	s0 =	sor.u32 s1, s0  }
0xbd: {  	s0 =	sadd.s32 $0x8F2B, s0  }
0xbe: {  	[sflag:s0] =	ssyncadd.remote.s32 $0x1  }
0xbf: {  	_ =	sfence.sel $0xFFFF  }
0xc0: {  	[dreg:$0x0] =	wrdreg $0xFFFFFFFF;
	(pc) =	sbr.abs _section_cstart, $3  }
0xc1: {  	[dreg:$0x1] =	wrdreg $0xFFFFFFFF  }
0xc2: {  	_ =	task.clear_ibuf [dreg:s6], $0x2FFFF;
	_ =	strace $0x9FFFFFFF  }
0xc3: {  	(tm) =	ssettm $0x7FFFFFFF  }
tec
execute0_lowered:
.L_overlay_start_1:
0x0: {  	(tag) =	ssettag $0x1  }
0x1: {  	s0 =	rddreg [dreg:$0x0]  }
0x2: {  	s2 =	rddreg [dreg:$0x1]  }
0x3: {  	s3 =	rddreg [dreg:$0x2]  }
0x4: {  	s1 =	srdreg.scid;
	s11 =	stileid.u32  }
0x5: {  	s4 =	simm.s32 $0x0;
	s17 =	simm.s32 $0x4;
	s18 =	simm.s32 $0x5  }
0x6: {  	s19 =	simm.s32 $0x6;
	s20 =	simm.s32 $0x7;
	s21 =	simm.s32 $0x80  }
0x7: {  	s22 =	simm.s32 $0x5100;
	s23 =	simm.s32 $0x7100;
	s25 =	simm.s32 $0x9100  }
0x8: {  	s28 =	simm.s32 $0x8;
	s29 =	simm.s32 $0x2;
	s30 =	simm.s32 $0x3  }
0x9: {  	s16 =	simm.s32 $0x0;
	s1 =	sand.u32 $0x1, s1;
	s8 =	smul.u32 $0xA000, s11  }
0xa: {  	[smem:$0x7FF] =	sst s4;
	s5 =	sshll.u32 s1, $0x4;
	s6 =	smul.u32 $0xA0000, s1  }
0xb: {  	_ =	strace $0x8000004D;
	s1 =	ssub.s32 $0x2, s1;
	s5 =	sor.u32 s11, s5  }
0xc: {  	s7 =	sshrl.u32 s8, $0x3;
	s31 =	sshrl.u32 s1, $0x1;
	s13 =	sadd.s32 s8, s2  }
0xd: {  	s15 =	sadd.s32 s8, s3;
	s5 =	smul.u32 $0x510, s5;
	s9 =	sadd.s32 s7, s0  }
0xe: {  	s6 =	sadd.s32 s8, s6;
	s1 =	ssub.s32 s1, s31;
	s13 =	sshrl.u32 s13, $0x3  }
0xf: {  	s15 =	sshrl.u32 s15, $0x3;
	s26 =	sshrl.u32 s6, $0x3;
	s6 =	sadd.s32 $0x2A800, s9  }
0x10: {  	s8 =	sadd.s32 $0x16800, s9;
	s12 =	smax.u32 s1, $0x1;
	s1 =	simm.s32 $0x5080  }
0x11: {  	s10 =	sadd.s32 s5, s0;
	s0 =	sadd.s32 s26, s0;
	s5 =	sshll.u32 s11, $0x6  }
0x12: {  	s26 =	simm.s32 $0x1;
	s7 =	sor.u32 $0x1C04, s5;
	s9 =	sadd.s32 $0xC600, s10  }
0x13: {  	s10 =	sadd.s32 $0x1A00, s10;
	s11 =	sadd.s32 $0x3E800, s0;
	s14 =	sor.u32 $0x1C05, s5  }
.LBB2_1:
0x14: {  	[spmem:s13], [sflag:s7] =	dma.local [hbm:s6], $0x1400  }
0x15: {  	[spmem:s15], [sflag:s14] =	dma.local [hbm:s8], $0x1400  }
0x16: {  	[tilespmem:s4], [sflag:$0x6] =	stream.linear.gather [hbm4b:s9+s4], $0x2880, $0x38;
	[tilespmem:$0x1F100] =	vst v63  }
0x17: {  	s0 =	simm.s32 $0x2880  }
0x18: {  	[tilespmem:s0], [sflag:$0x7] =	stream.linear.gather [hbm4b:s10+s4], $0x2880, $0x38;
	[tilespmem:$0x1F100] =	vst v63  }
0x19: {  	_ =	swait.ge [sflag:s17], $0x1400  }
0x1a: {  	[sflag:s17] =	ssyncset.done $0x0  }
0x1b: {  	[sflag:s17] =	ssyncadd.s32 $0xFFFFEC00  }
0x1c: {  	_ =	swait.ge [sflag:s18], $0x1400  }
0x1d: {  	[sflag:s18] =	ssyncset.done $0x0  }
0x1e: {  	[sflag:s18] =	ssyncadd.s32 $0xFFFFEC00  }
0x1f: {  	_ =	swait.ge [sflag:s19], $0x2880  }
0x20: {  	[sflag:s19] =	ssyncset.done $0x0  }
0x21: {  	[sflag:s19] =	ssyncadd.s32 $0xFFFFD780  }
0x22: {  	_ =	swait.ge [sflag:s20], $0x2880  }
0x23: {  	[sflag:s20] =	ssyncset.done $0x0  }
0x24: {  	[sflag:s20] =	ssyncadd.s32 $0xFFFFD780  }
0x25: {  	[bflag:$0x0] =	sbarrier.arrive $0xFFFF  }
0x26: {  	[tilespmem:s22], [sflag:$0x1] =	stream.indirect.gather [spmem:s3], $0x40, s4, s21, $0xb8;
	[tilespmem:$0x1F100] =	vst v63  }
0x27: {  	_ = 	snop  }
0x28: {  	[tilespmem:s23], [sflag:$0x2] =	stream.indirect.gather [spmem:s3], $0x40, s21, s21, $0xb8;
	[tilespmem:$0x1F100] =	vst v63  }
0x29: {  	s24 =	simm.s32 $0x100  }
0x2a: {  	[tilespmem:s25], [sflag:$0x3] =	stream.indirect.gather [spmem:s3], $0x40, s24, s21, $0xb8;
	[tilespmem:$0x1F100] =	vst v63  }
0x2b: {  	_ =	swait.ge [sflag:s26], $0x2000  }
0x2c: {  	[sflag:s26] =	ssyncset.done $0x0  }
0x2d: {  	s24 =	simm.s32 $0x2880;
	[sflag:s26] =	ssyncadd.s32 $0xFFFFE000  }
0x2e: {  	[spmem:s2] =	stream.indirect.scatter.add.f32 [tilespmem:s22], [sflag:$0x8], $0x40, s24, s21, $0xb8;
	[tilespmem:$0x1F100] =	vst v63  }
0x2f: {  	_ =	swait.ge [sflag:s28], $0x2000  }
0x30: {  	[sflag:s28] =	ssyncset.done $0x0  }
0x31: {  	s0 =	simm.s32 $0x180;
	[sflag:s28] =	ssyncadd.s32 $0xFFFFE000  }
0x32: {  	[tilespmem:s22], [sflag:$0x1] =	stream.indirect.gather [spmem:s3], $0x40, s0, s21, $0xb8;
	[tilespmem:$0x1F100] =	vst v63  }
0x33: {  	_ =	swait.ge [sflag:s29], $0x2000  }
0x34: {  	[sflag:s29] =	ssyncset.done $0x0  }
0x35: {  	s0 =	simm.s32 $0x2900;
	[sflag:s29] =	ssyncadd.s32 $0xFFFFE000  }
0x36: {  	[spmem:s2] =	stream.indirect.scatter.add.f32 [tilespmem:s23], [sflag:$0x8], $0x40, s0, s21, $0xb8;
	[tilespmem:$0x1F100] =	vst v63  }
0x37: {  	_ =	swait.ge [sflag:s28], $0x2000  }
0x38: {  	[sflag:s28] =	ssyncset.done $0x0  }
0x39: {  	s0 =	simm.s32 $0x200;
	[sflag:s28] =	ssyncadd.s32 $0xFFFFE000  }
0x3a: {  	[tilespmem:s23], [sflag:$0x2] =	stream.indirect.gather [spmem:s3], $0x40, s0, s21, $0xb8;
	[tilespmem:$0x1F100] =	vst v63  }
0x3b: {  	_ =	swait.ge [sflag:s30], $0x2000  }
0x3c: {  	[sflag:s30] =	ssyncset.done $0x0  }
0x3d: {  	s0 =	simm.s32 $0x2980;
	[sflag:s30] =	ssyncadd.s32 $0xFFFFE000  }
0x3e: {  	[spmem:s2] =	stream.indirect.scatter.add.f32 [tilespmem:s25], [sflag:$0x8], $0x40, s0, s21, $0xb8;
	[tilespmem:$0x1F100] =	vst v63  }
0x3f: {  	_ =	swait.ge [sflag:s28], $0x2000  }
0x40: {  	[sflag:s28] =	ssyncset.done $0x0  }
0x41: {  	s31 =	simm.s32 $0x280;
	s24 =	simm.s32 $0x600;
	[sflag:s28] =	ssyncadd.s32 $0xFFFFE000  }
.LBB2_2:
0x42: {  	[tilespmem:s25], [sflag:$0x3] =	stream.indirect.gather [spmem:s3], $0x40, s31, s21, $0xb8;
	[tilespmem:$0x1F100] =	vst v63  }
0x43: {  	s31 =	smov.u32 s24  }
0x44: {  	p0 =	sne.s32 s24, $0x9600;
	s24 =	sadd.s32 $0x600, s24;
	_ =	swait.ge [sflag:s26], $0x2000  }
0x45: {  	s31 =	sshra.s32 s31, $0x2;
	[sflag:s26] =	ssyncset.done $0x0  }
0x46: {  	s0 =	sadd.s32 $0x2880, s31;
	[sflag:s26] =	ssyncadd.s32 $0xFFFFE000  }
0x47: {  	[spmem:s2] =	stream.indirect.scatter.add.f32 [tilespmem:s22], [sflag:$0x8], $0x40, s0, s21, $0xb8;
	[tilespmem:$0x1F100] =	vst v63  }
0x48: {  	_ =	swait.ge [sflag:s28], $0x2000  }
0x49: {  	[sflag:s28] =	ssyncset.done $0x0  }
0x4a: {  	s0 =	sadd.s32 $0x180, s31;
	[sflag:s28] =	ssyncadd.s32 $0xFFFFE000  }
0x4b: {  	[tilespmem:s22], [sflag:$0x1] =	stream.indirect.gather [spmem:s3], $0x40, s0, s21, $0xb8;
	[tilespmem:$0x1F100] =	vst v63  }
0x4c: {  	_ =	swait.ge [sflag:s29], $0x2000  }
0x4d: {  	[sflag:s29] =	ssyncset.done $0x0  }
0x4e: {  	s0 =	sadd.s32 $0x2900, s31;
	[sflag:s29] =	ssyncadd.s32 $0xFFFFE000  }
0x4f: {  	[spmem:s2] =	stream.indirect.scatter.add.f32 [tilespmem:s23], [sflag:$0x8], $0x40, s0, s21, $0xb8;
	[tilespmem:$0x1F100] =	vst v63  }
0x50: {  	_ =	swait.ge [sflag:s28], $0x2000  }
0x51: {  	[sflag:s28] =	ssyncset.done $0x0  }
0x52: {  	s0 =	sadd.s32 $0x200, s31;
	[sflag:s28] =	ssyncadd.s32 $0xFFFFE000  }
0x53: {  	[tilespmem:s23], [sflag:$0x2] =	stream.indirect.gather [spmem:s3], $0x40, s0, s21, $0xb8;
	[tilespmem:$0x1F100] =	vst v63  }
0x54: {  	_ =	swait.ge [sflag:s30], $0x2000  }
0x55: {  	[sflag:s30] =	ssyncset.done $0x0  }
.Ltmp0:
0x56: {  	s0 =	sadd.s32 $0x2980, s31;
	[sflag:s30] =	ssyncadd.s32 $0xFFFFE000;
	(pc) =	sbr.rel @p0 .LBB2_2-.Ltmp0, $4  }
0x57: {  	[spmem:s2] =	stream.indirect.scatter.add.f32 [tilespmem:s25], [sflag:$0x8], $0x40, s0, s21, $0xb8;
	[tilespmem:$0x1F100] =	vst v63  }
0x58: {  	_ =	swait.ge [sflag:s28], $0x2000  }
0x59: {  	[sflag:s28] =	ssyncset.done $0x0  }
0x5a: {  	s31 =	sadd.s32 $0x280, s31;
	[sflag:s28] =	ssyncadd.s32 $0xFFFFE000  }
0x5b: {  	[tilespmem:s25], [sflag:$0x3] =	stream.indirect.gather [spmem:s3], $0x40, s31, s21, $0xb8;
	[tilespmem:$0x1F100] =	vst v63  }
0x5c: {  	_ =	swait.ge [sflag:s26], $0x2000  }
0x5d: {  	[sflag:s26] =	ssyncset.done $0x0  }
0x5e: {  	s0 =	simm.s32 $0x4F80;
	[sflag:s26] =	ssyncadd.s32 $0xFFFFE000  }
0x5f: {  	[spmem:s2] =	stream.indirect.scatter.add.f32 [tilespmem:s22], [sflag:$0x8], $0x40, s0, s21, $0xb8;
	[tilespmem:$0x1F100] =	vst v63  }
0x60: {  	_ =	swait.ge [sflag:s28], $0x2000  }
0x61: {  	[sflag:s28] =	ssyncset.done $0x0  }
0x62: {  	[sflag:s28] =	ssyncadd.s32 $0xFFFFE000  }
0x63: {  	_ =	swait.ge [sflag:s29], $0x2000  }
0x64: {  	[sflag:s29] =	ssyncset.done $0x0  }
0x65: {  	s24 =	simm.s32 $0x5000;
	[sflag:s29] =	ssyncadd.s32 $0xFFFFE000  }
0x66: {  	[spmem:s2] =	stream.indirect.scatter.add.f32 [tilespmem:s23], [sflag:$0x8], $0x40, s24, s21, $0xb8;
	[tilespmem:$0x1F100] =	vst v63  }
0x67: {  	_ =	swait.ge [sflag:s28], $0x2000  }
0x68: {  	[sflag:s28] =	ssyncset.done $0x0  }
0x69: {  	[sflag:s28] =	ssyncadd.s32 $0xFFFFE000  }
0x6a: {  	_ =	swait.ge [sflag:s30], $0x2000  }
0x6b: {  	[sflag:s30] =	ssyncset.done $0x0  }
0x6c: {  	[sflag:s30] =	ssyncadd.s32 $0xFFFFE000  }
0x6d: {  	[spmem:s2] =	stream.indirect.scatter.add.f32 [tilespmem:s25], [sflag:$0x8], $0x40, s1, s21, $0xb8;
	[tilespmem:$0x1F100] =	vst v63  }
0x6e: {  	_ =	swait.ge [sflag:s28], $0x2000  }
0x6f: {  	s16 =	sadd.s32 $0x1, s16;
	[sflag:s28] =	ssyncset.done $0x0  }
0x70: {  	p0 =	sne.s32 s16, s12;
	[sflag:s28] =	ssyncadd.s32 $0xFFFFE000  }
.Ltmp1:
0x71: {  	s31 =	sor.u32 $0x1C08, s5;
	[bflag:$0x0] =	sbarrier.arrive $0xFFFF;
	(pc) =	sbr.rel @p0 .LBB2_1-.Ltmp1, $4  }
0x72: {  	[hbm:s11], [sflag:s31] =	dma.local [spmem:s13], $0x1400  }
0x73: {  	_ =	swait.ge [sflag:s28], $0x1400  }
0x74: {  	[sflag:s28] =	ssyncset.done $0x0  }
0x75: {  	[sflag:s28] =	ssyncadd.s32 $0xFFFFEC00  }
0x76: {  	_ =	sfence.sel $0x180000  }
0x77: {  	[bflag:$0x0] =	sbarrier.arrive $0xFFFF  }
0x78: {  	_ =	strace $0x9000004D  }
0x79: {  	s0 =	stileid.u32;
	[bflag:$0x2] =	sbarrier.arrive $0xFFFF  }
0x7a: {  	p0 =	sne.s32 s0, $0x0;
	s0 =	rddreg [dreg:$0x3]  }
0x7b: {  	s0 =	sadd.s32 @!p0 $0x100000, s0  }
0x7c: {  	[sflag:s0] =	ssyncadd.tile.s32 @!p0 $0x1;
	_ =	shalt  }
.Lfunc_end2:
_tile_overlayer_lowered:
.L_overlay_start_2:
0x7d: {  	(tag) =	ssettag $0x2  }
0x7e: {  	s0 =	rddreg [dreg:$0x0];
	s2 =	stileid.u32  }
0x7f: {  	s1 =	rddreg [dreg:$0x1];
	p0 =	sne.s32 s2, $0x0  }
0x80: {  	s3 =	rddreg [dreg:$0x2];
	[bflag:$0x3] =	sbarrier.arrive $0xFFFF;
	s2 =	simm.s32 @!p0 $0x1C08  }
0x81: {  	[timem:s3], [sflag:s2] =	dma.local @!p0 [hbm:s0], s1  }
0x82: {  	s0 =	simm.s32 @!p0 $0x8  }
0x83: {  	_ =	swait.ge @!p0 [sflag:s0], s1  }
0x84: {  	s1 =	ssub.s32 @!p0 $0x0, s1;
	[sflag:s0] =	ssyncset.done @!p0 $0x0  }
0x85: {  	[sflag:s0] =	ssyncadd.s32 @!p0 s1  }
0x86: {  	[bflag:$0x3] =	sbarrier.arrive $0xFFFF  }
0x87: {  	_ =	shalt  }

// kernel: kernel.8.cloned.1.call-start
scs
__scs_entry_jumppad:
0x0: {  	(pc) =	sbr.rel $0x88, $3  }
0x1: {  	(tag) =	ssettag $0x0;
	lr =	simm.s32 $0x1  }
0x2: {  	[smem:$0x3F97] =	sst lr;
	_ =	strace $0xD0000000  }
0x3: {  	_ = 	snop  }
0x4: {  	_ = 	snop  }
0x5: {  	_ = 	snop  }
0x6: {  	_ = 	snop  }
0x7: {  	_ = 	snop  }
__scs_overlays_trampoline_lowered:
0x8: {  	[smem:$0x3FA6] =	sst s0  }
0x9: {  	[smem:$0x3FA7] =	sst s1  }
0xa: {  	[smem:$0x3FA8] =	sst s2  }
0xb: {  	[smem:$0x3FA9] =	sst s3  }
0xc: {  	[smem:$0x3FAA] =	sst s4  }
0xd: {  	[smem:$0x3FAB] =	sst s5  }
0xe: {  	[smem:$0x3FAC] =	sst s6  }
0xf: {  	[smem:$0x3FAD] =	sst s7  }
0x10: {  	[smem:$0x3FAE] =	sst s8  }
0x11: {  	[smem:$0x3FAF] =	sst s9;
	s0 =	simm.s32 @!p0 $0x0  }
0x12: {  	s1 =	sld [smem:$0x3F95];
	s0 =	simm.s32 @p0 $0x1  }
0x13: {  	[smem:$0x3FB0] =	sst s0;
	s0 =	simm.s32 @!p1 $0x0  }
0x14: {  	s2 =	sld [smem:$0x3F94];
	s0 =	simm.s32 @p1 $0x1  }
0x15: {  	[smem:$0x3FB1] =	sst s0;
	s0 =	simm.s32 @!p2 $0x0  }
0x16: {  	s3 =	sld [smem:$0x3FDB];
	s0 =	simm.s32 @p2 $0x1  }
0x17: {  	s4 =	simm.s32 $0x1BF5;
	[smem:$0x3FB3] =	sst s0  }
0x18: {  	s0 =	sld [smem:$0x3F96];
	_ =	swait.ge [sflag:s4], $0x0  }
0x19: {  	s7 =	sld [smem:$0x3F97]  }
0x1a: {  	s8 =	sadd.s32 $0xFFFFE003, lr  }
0x1b: {  	s9 =	sadd.s32 $0xFFFFFEF7, lr;
	s5 =	simm.s32 $0xFFFFFFFF;
	p2 =	slt.u32 s8, $0xFFFFF086  }
0x1c: {  	p1 =	slt.u32 s9, $0xF7A;
	s5 =	simm.s32 @!p2 $0x0  }
0x1d: {  	s5 =	simm.s32 @p1 $0x1;
	p0 =	seq.s32 s7, s2  }
0x1e: {  	s7 =	smul.u32 @!p0 $0xF7A, s2;
	p2 =	seq.s32 @!p0 s5, $0x0  }
0x1f: {  	s9 =	smul.u32 $0xF7A, s1;
	s8 =	simm.s32 @!p0 $0x1BF5;
	p2 =	por !p2, p0  }
0x20: {  	[sflag:s8] =	ssyncset.s32 @!p0 $0xFFFFF086;
	s6 =	sadd.s32 @!p0 s3, s7;
	s7 =	simm.s32 @!p0 $0x108  }
0x21: {  	s3 =	sadd.s32 s3, s9;
	s6 =	sadd.s32 @!p0 $0x88, s6;
	s7 =	simm.s32 @p2 $0x1082  }
0x22: {  	[simem:s7], [sflag:s8] =	dma.local @!p0 [hbm:s6], $0xF7A  }
0x23: {  	s9 =	sor.u32 $0xD0000000, s2;
	s6 =	simm.s32 $0x108;
	_ =	swait.ge @!p0 [sflag:s8], $0x0  }
0x24: {  	s3 =	sadd.s32 $0x88, s3;
	s6 =	simm.s32 @!p1 $0x1082;
	[sflag:s4] =	ssyncset.s32 $0xFFFFF086  }
0x25: {  	[simem:s6], [sflag:s4] =	dma.local [hbm:s3], $0xF7A  }
0x26: {  	[smem:$0x3F97] =	sst s1;
	(tag) =	ssettag s2;
	_ =	strace s9  }
0x27: {  	s1 =	sld [smem:$0x3FA7]  }
0x28: {  	s2 =	sld [smem:$0x3FA8]  }
0x29: {  	s4 =	sld [smem:$0x3FAA]  }
0x2a: {  	p0 =	seq.s32 s5, $0x0;
	s5 =	sld [smem:$0x3FAB]  }
0x2b: {  	s6 =	sld [smem:$0x3FAC]  }
0x2c: {  	s7 =	sld [smem:$0x3FAD]  }
0x2d: {  	s3 =	simm.s32 $0x108;
	s8 =	sld [smem:$0x3FAE]  }
0x2e: {  	s3 =	simm.s32 @!p0 $0x1082;
	s9 =	sld [smem:$0x3FAF]  }
0x2f: {  	lr =	sadd.s32 s0, s3;
	s0 =	sld [smem:$0x3FA6]  }
0x30: {  	s3 =	sld [smem:$0x3FA9]  }
0x31: {  	[smem:$0x3FB2] =	sst s10  }
0x32: {  	s10 =	sld [smem:$0x3FB0];
	_ =	sdelay $0x3  }
0x33: {  	p0 =	seq.s32 s10, $0x1;
	s10 =	sld [smem:$0x3FB2];
	_ =	sdelay $0x3  }
0x34: {  	[smem:$0x3FB2] =	sst s10  }
0x35: {  	s10 =	sld [smem:$0x3FB1];
	_ =	sdelay $0x3  }
0x36: {  	p1 =	seq.s32 s10, $0x1;
	s10 =	sld [smem:$0x3FB2];
	_ =	sdelay $0x3  }
0x37: {  	[smem:$0x3FB2] =	sst s10  }
0x38: {  	s10 =	sld [smem:$0x3FB3]  }
0x39: {  	_ = 	snop;
	(pc) =	sbr.ind lr, $3  }
0x3a: {  	_ = 	snop  }
0x3b: {  	_ = 	snop  }
0x3c: {  	p2 =	seq.s32 s10, $0x1;
	s10 =	sld [smem:$0x3FB2]  }
0x3d: {  	_ =	shalt  }
0x3e: {  	_ =	shalt  }
0x3f: {  	_ =	shalt  }
0x40: {  	_ =	shalt  }
0x41: {  	_ =	shalt  }
0x42: {  	_ =	shalt  }
0x43: {  	_ =	shalt  }
0x44: {  	_ =	shalt  }
0x45: {  	_ =	shalt  }
0x46: {  	_ =	shalt  }
0x47: {  	_ =	shalt  }
0x48: {  	_ =	shalt  }
0x49: {  	_ =	shalt  }
0x4a: {  	_ =	shalt  }
0x4b: {  	_ =	shalt  }
0x4c: {  	_ =	shalt  }
0x4d: {  	_ =	shalt  }
0x4e: {  	_ =	shalt  }
0x4f: {  	_ =	shalt  }
0x50: {  	_ =	shalt  }
0x51: {  	_ =	shalt  }
0x52: {  	_ =	shalt  }
0x53: {  	_ =	shalt  }
0x54: {  	_ =	shalt  }
0x55: {  	_ =	shalt  }
0x56: {  	_ =	shalt  }
0x57: {  	_ =	shalt  }
0x58: {  	_ =	shalt  }
0x59: {  	_ =	shalt  }
0x5a: {  	_ =	shalt  }
0x5b: {  	_ =	shalt  }
0x5c: {  	_ =	shalt  }
0x5d: {  	_ =	shalt  }
0x5e: {  	_ =	shalt  }
0x5f: {  	_ =	shalt  }
0x60: {  	_ =	shalt  }
0x61: {  	_ =	shalt  }
0x62: {  	_ =	shalt  }
0x63: {  	_ =	shalt  }
0x64: {  	_ =	shalt  }
0x65: {  	_ =	shalt  }
0x66: {  	_ =	shalt  }
0x67: {  	_ =	shalt  }
0x68: {  	_ =	shalt  }
0x69: {  	_ =	shalt  }
0x6a: {  	_ =	shalt  }
0x6b: {  	_ =	shalt  }
0x6c: {  	_ =	shalt  }
0x6d: {  	_ =	shalt  }
0x6e: {  	_ =	shalt  }
0x6f: {  	_ =	shalt  }
0x70: {  	_ =	shalt  }
0x71: {  	_ =	shalt  }
0x72: {  	_ =	shalt  }
0x73: {  	_ =	shalt  }
0x74: {  	_ =	shalt  }
0x75: {  	_ =	shalt  }
0x76: {  	_ =	shalt  }
0x77: {  	_ =	shalt  }
0x78: {  	_ =	shalt  }
0x79: {  	_ =	shalt  }
0x7a: {  	_ =	shalt  }
0x7b: {  	_ =	shalt  }
0x7c: {  	_ =	shalt  }
0x7d: {  	_ =	shalt  }
0x7e: {  	_ =	shalt  }
0x7f: {  	_ =	shalt  }
0x80: {  	_ =	shalt  }
0x81: {  	_ =	shalt  }
0x82: {  	_ =	shalt  }
0x83: {  	_ =	shalt  }
0x84: {  	_ =	shalt  }
0x85: {  	_ =	shalt  }
0x86: {  	_ =	shalt  }
0x87: {  	_ =	shalt  }
.Lfunc_end0:
.L_simem_size_0:
called_computation_lowered:
.L_overlay_start_0:
0x88: {  	s2 =	sld [smem:$0x3FD9]  }
0x89: {  	s3 =	sld [smem:$0x3FFE];
	_ =	sdelay $0x1  }
0x8a: {  	s1 =	srdreg.scid  }
0x8b: {  	s0 =	sand.u32 $0x1, s1  }
0x8c: {  	s16 =	sshll.u32 s0, $0xA;
	s2 =	sadd.s32 s3, s2  }
0x8d: {  	s2 =	sadd.s32 s2, s16  }
0x8e: {  	[smem:$0x3FBE] =	sst s2  }
0x8f: {  	_ = 	snop  }
0x90: {  	(tm) =	ssettm $0x1  }
0x91: {  	s17 =	sld [smem:$0x3FFB];
	_ =	sdelay $0x3  }
0x92: {  	_ =	strace s17  }
0x93: {  	s2 =	sld [smem:$0x3FFC];
	_ =	sdelay $0x3  }
0x94: {  	_ =	strace s2  }
0x95: {  	s2 =	sld [smem:$0x3FFD];
	_ =	sdelay $0x3  }
0x96: {  	_ =	strace s2  }
0x97: {  	_ =	strace $0x8FFFFFFF  }
0x98: {  	s18 =	sld [smem:$0x3FDB];
	_ =	sdelay $0x1  }
0x99: {  	s19 =	simm.s32 $_scs_section_size  }
0x9a: {  	s4 =	simm.s32 $_size__tile_overlayer_lowered;
	s5 =	simm.s32 $_tile_overlayer_lowered  }
0x9b: {  	s22 =	simm.s32 $0x1BFF;
	s21 =	sshll.u32 s5, $0x1;
	s2 =	sadd.s32 s19, s18  }
0x9c: {  	s6 =	simm.s32 $0x0;
	s20 =	sshll.u32 s4, $0x1;
	s4 =	sadd.s32 s21, s2  }
0x9d: {  	[timem:s6], [sflag:s22] =	dma.local [hbm:s4], s20  }
0x9e: {  	_ =	swait.ge [sflag:s22], s20  }
0x9f: {  	s3 =	ssub.s32 $0x0, s20;
	[sflag:s22] =	ssyncset.done $0x0  }
0xa0: {  	[sflag:s22] =	ssyncadd.s32 s3;
	_ =	sdelay $0x1  }
0xa1: {  	s23 =	simm.s32 $0x1B8B  }
0xa2: {  	_ =	swait.ge [sflag:s23], $0x1  }
0xa3: {  	[sflag:s23] =	ssyncset.done $0x0  }
0xa4: {  	s25 =	simm.s32 $0x1B8E;
	s24 =	sld [smem:$0x3FFE];
	[sflag:s23] =	ssyncadd.s32 $0xFFFFFFFF  }
0xa5: {  	s26 =	simm.s32 $execute0_lowered;
	[smem:$0x3FD2] =	sst s25  }
0xa6: {  	s4 =	sshll.u32 s26, $0x1;
	_ =	strace $0x80000046;
	[dreg:$0x1] =	wrdreg $0xFFFFFFFF  }
0xa7: {  	s28 =	simm.s32 $_size_execute0_lowered;
	s2 =	sadd.s32 s2, s4;
	[dreg:$0x0] =	wrdreg $0x0  }
0xa8: {  	s4 =	sshll.u32 s28, $0x1;
	[dreg:$0x2] =	wrdreg s2  }
0xa9: {  	[dreg:$0x3] =	wrdreg s4  }
0xaa: {  	[dreg:$0x4] =	wrdreg $0xC0  }
0xab: {  	_ =	task [dreg:s6], $0x5FFFF  }
0xac: {  	[dreg:$0x1] =	wrdreg $0xFFFFFFFF  }
0xad: {  	[dreg:$0x0] =	wrdreg $0x60  }
0xae: {  	[dreg:$0x2] =	wrdreg s24  }
0xaf: {  	[dreg:$0x3] =	wrdreg $0x7B000  }
0xb0: {  	[dreg:$0x4] =	wrdreg $0x9  }
0xb1: {  	_ =	task.clear_ibuf [dreg:s6], $0x5FFFF;
	_ =	strace $0x90000046  }
0xb2: {  	s29 =	simm.s32 $0x9;
	_ =	strace $0x80000048  }
0xb3: {  	_ =	swait.ge [sflag:s29], $0x1  }
0xb4: {  	[sflag:s29] =	ssyncadd.s32 $0xFFFFFFFF  }
0xb5: {  	_ =	strace $0x90000048  }
0xb6: {  	_ =	sfence  }
0xb7: {  	s30 =	sld [smem:$0x0];
	_ =	sdelay $0x2  }
0xb8: {  	s31 =	sshll.u32 s1, $0xD;
	s1 =	sshrl.u32 s1, $0x2  }
0xb9: {  	s3 =	sand.u32 $0x4000, s31;
	s1 =	sadd.s32 s1, s30  }
0xba: {  	s0 =	sor.u32 s3, s0;
	s1 =	sshll.u32 s1, $0x11  }
0xbb: {  	s0 =	sor.u32 s1, s0  }
0xbc: {  	s0 =	sadd.s32 $0x8F2B, s0  }
0xbd: {  	[sflag:s0] =	ssyncadd.remote.s32 $0x1  }
0xbe: {  	_ =	sfence.sel $0xFFFF  }
0xbf: {  	[dreg:$0x0] =	wrdreg $0xFFFFFFFF;
	(pc) =	sbr.abs _section_cstart, $3  }
0xc0: {  	[dreg:$0x1] =	wrdreg $0xFFFFFFFF  }
0xc1: {  	_ =	task.clear_ibuf [dreg:s6], $0x2FFFF;
	_ =	strace $0x9FFFFFFF  }
0xc2: {  	(tm) =	ssettm $0x7FFFFFFF  }
0xc3: {  	_ =	shalt  }
tec
execute0_lowered:
.L_overlay_start_1:
0x0: {  	(tag) =	ssettag $0x1  }
0x1: {  	s3 =	rddreg [dreg:$0x0]  }
0x2: {  	s5 =	rddreg [dreg:$0x1];
	s2 =	srdreg.scid  }
0x3: {  	s1 =	stileid.u32;
	s0 =	rddreg [dreg:$0x2];
	s11 =	simm.s32 $0x280  }
0x4: {  	s12 =	simm.s32 $0x2800;
	s13 =	simm.s32 $0x5080;
	s14 =	simm.s32 $0x7880  }
0x5: {  	s15 =	simm.s32 $0x0;
	s4 =	sand.u32 $0x1, s2;
	s6 =	smul.u32 $0x280, s1  }
0x6: {  	s2 =	simm.s32 $0x0;
	s9 =	smul.u32 $0xA000, s1;
	s7 =	sshll.u32 s4, $0x4  }
0x7: {  	s8 =	smul.u32 $0x2800, s4;
	[smem:$0x7FF] =	sst s2;
	s4 =	ssub.s32 $0x2, s4  }
0x8: {  	s7 =	sor.u32 s1, s7;
	_ =	strace $0x80000047;
	s30 =	sshrl.u32 s4, $0x1  }
0x9: {  	s31 =	sshrl.u32 s9, $0x2;
	s7 =	smul.u32 $0x510, s7;
	s8 =	sadd.s32 s6, s8  }
0xa: {  	s9 =	simm.s32 $0x2880;
	s10 =	ssub.s32 s4, s30;
	s8 =	sshrl.u32 s8, $0x3  }
0xb: {  	s4 =	sadd.s32 s31, s5;
	s7 =	sadd.s32 s7, s3;
	s8 =	sadd.s32 s8, s3  }
0xc: {  	s5 =	sadd.s32 s6, s5;
	s3 =	sadd.s32 $0x1A00, s7;
	s6 =	sadd.s32 $0xBC00, s8  }
0xd: {  	v0 =	vimm.f32 $0.0e+00;
	v1 =	vimm.f32 $1.000000000e+00;
	s7 =	smax.u32 s10, $0x1;
	s8 =	simm.s32 $0x1;
	s10 =	simm.s32 $0x2  }
.LBB2_1:
0xe: {  	[tilespmem:s2], [sflag:$0x1] =	stream.linear.gather [hbm4b:s3+s2], $0x2880, $0x38;
	[tilespmem:$0xA300] =	vst v63  }
0xf: {  	s16 =	simm.s32 $0x40;
	s17 =	simm.s32 $0x0  }
.LBB2_2:
0x10: {  	p0 =	sne.s32 s16, $0x9FC0;
	[tilespmem:s17+$0x2880] =	vst v0;
	s17 =	smov.u32 s16;
	s16 =	sadd.s32 $0x40, s16  }
.Ltmp0:
0x11: {  	(pc) =	sbr.rel @p0 .LBB2_2-.Ltmp0, $2  }
0x12: {  	_ =	sdelay $0x2  }
0x13: {  	s17 =	sshra.s32 s17, $0x2  }
0x14: {  	[tilespmem:s17+$0x2880] =	vst v0  }
0x15: {  	_ =	swait.ge [sflag:s8], $0x2880  }
0x16: {  	[sflag:s8] =	ssyncset.done $0x0  }
0x17: {  	s17 =	simm.s32 $0x0;
	s16 =	simm.s32 $0x40;
	[sflag:s8] =	ssyncadd.s32 $0xFFFFD780  }
.LBB2_4:
0x18: {  	p0 =	sne.s32 s16, $0xA1C0;
	v2 =	vld [tilespmem:s17+$0x0];
	_ =	sdelay $0x3  }
.Ltmp1:
0x19: {  	(pc) =	sbr.rel @p0 .LBB2_4-.Ltmp1, $2  }
0x1a: {  	_ =	sdelay $0x2  }
0x1b: {  	s17 =	sshra.s32 s16, $0x2;
	s16 =	sadd.s32 $0x40, s16;
	[tilespmem:v2+s9+$0x0] =	vst.idx.add.f32.msk $0xffff, v1  }
0x1c: {  	v2 =	vld [tilespmem:s17+$0x0];
	_ =	sdelay $0x7  }
0x1d: {  	[tilespmem:v2+s9+$0x0] =	vst.idx.add.f32.msk $0xffff, v1  }
0x1e: {  	[spmem:s4] =	stream.linear.scatter [tilespmem:s9], [sflag:$0x2], $0x2800, $0x38;
	[tilespmem:$0xA300] =	vst v63  }
0x1f: {  	_ =	swait.ge [sflag:s10], $0x2800  }
0x20: {  	[sflag:s10] =	ssyncset.done $0x0  }
0x21: {  	[sflag:s10] =	ssyncadd.s32 $0xFFFFD800  }
0x22: {  	[bflag:$0x0] =	sbarrier.arrive $0xFFFF  }
0x23: {  	[tilespmem:s13], [sflag:$0x2] =	stream.strided.gather [spmem:s5], $0x2800, s12, s11, $0x38;
	[tilespmem:$0xA300] =	vst v63  }
0x24: {  	_ =	swait.ge [sflag:s10], $0x2800  }
0x25: {  	[sflag:s10] =	ssyncset.done $0x0  }
0x26: {  	s17 =	simm.s32 $0x0;
	[sflag:s10] =	ssyncadd.s32 $0xFFFFD800  }
0x27: {  	v2 =	vld [tilespmem:s17+$0x5080];
	_ =	sdelay $0x1  }
0x28: {  	v3 =	vld [tilespmem:s17+$0x5300];
	_ =	sdelay $0x1  }
0x29: {  	v4 =	vld [tilespmem:s17+$0x5580]  }
0x2a: {  	v2 =	vadd.f32 $0.0e+00, v2  }
0x2b: {  	v5 =	vld [tilespmem:s17+$0x5800]  }
0x2c: {  	v2 =	vadd.f32 v3, v2  }
0x2d: {  	v3 =	vld [tilespmem:s17+$0x5A80]  }
0x2e: {  	v2 =	vadd.f32 v4, v2  }
0x2f: {  	v4 =	vld [tilespmem:s17+$0x5D00]  }
0x30: {  	v2 =	vadd.f32 v5, v2  }
0x31: {  	v5 =	vld [tilespmem:s17+$0x5F80]  }
0x32: {  	v2 =	vadd.f32 v3, v2  }
0x33: {  	s16 =	simm.s32 $0x10;
	v3 =	vld [tilespmem:s17+$0x6200]  }
0x34: {  	v6 =	vld [tilespmem:s16+$0x5080];
	v2 =	vadd.f32 v4, v2  }
0x35: {  	v4 =	vld [tilespmem:s17+$0x6480]  }
0x36: {  	v7 =	vld [tilespmem:s16+$0x5300];
	v2 =	vadd.f32 v5, v2  }
0x37: {  	v5 =	vld [tilespmem:s17+$0x6700]  }
0x38: {  	v8 =	vld [tilespmem:s16+$0x5580];
	v2 =	vadd.f32 v3, v2  }
0x39: {  	v3 =	vld [tilespmem:s17+$0x6980]  }
0x3a: {  	v9 =	vld [tilespmem:s16+$0x5800];
	v6 =	vadd.f32 $0.0e+00, v6;
	v2 =	vadd.f32 v4, v2  }
0x3b: {  	v4 =	vld [tilespmem:s17+$0x6C00]  }
0x3c: {  	v10 =	vld [tilespmem:s16+$0x5A80];
	v6 =	vadd.f32 v7, v6;
	v2 =	vadd.f32 v5, v2  }
0x3d: {  	v7 =	vld [tilespmem:s17+$0x6E80]  }
0x3e: {  	v11 =	vld [tilespmem:s16+$0x5D00];
	v5 =	vadd.f32 v8, v6;
	v2 =	vadd.f32 v3, v2  }
0x3f: {  	v8 =	vld [tilespmem:s17+$0x7100]  }
0x40: {  	v3 =	vadd.f32 v9, v5;
	v5 =	vld [tilespmem:s16+$0x5F80];
	v4 =	vadd.f32 v4, v2  }
0x41: {  	v2 =	vld [tilespmem:s17+$0x7380]  }
0x42: {  	v6 =	vld [tilespmem:s16+$0x6200];
	v9 =	vadd.f32 v10, v3;
	v10 =	vadd.f32 v7, v4  }
0x43: {  	v3 =	vld [tilespmem:s17+$0x7600]  }
0x44: {  	s18 =	simm.s32 $0x20;
	s19 =	simm.s32 $0xC0;
	v7 =	vadd.f32 v11, v9;
	v4 =	vld [tilespmem:s16+$0x6480];
	v8 =	vadd.f32 v8, v10  }
.LBB2_6:
0x45: {  	p0 =	sne.s32 s19, $0x9C0;
	v9 =	vld [tilespmem:s18+$0x5080]  }
0x46: {  	v5 =	vadd.f32 v5, v7;
	v7 =	vld [tilespmem:s16+$0x6700];
	v2 =	vadd.f32 v2, v8  }
0x47: {  	v8 =	vld [tilespmem:s18+$0x5300]  }
0x48: {  	v5 =	vadd.f32 v6, v5;
	v6 =	vld [tilespmem:s16+$0x6980];
	v2 =	vadd.f32 v3, v2  }
0x49: {  	v3 =	vld [tilespmem:s18+$0x5580]  }
0x4a: {  	v9 =	vadd.f32 $0.0e+00, v9;
	v4 =	vadd.f32 v4, v5;
	v5 =	vld [tilespmem:s16+$0x6C00];
	[tilespmem:s17+$0x7880] =	vst v2;
	s17 =	smov.u32 s16;
	s16 =	smov.u32 s18  }
0x4b: {  	v2 =	vld [tilespmem:s16+$0x5800]  }
0x4c: {  	v8 =	vadd.f32 v8, v9;
	v4 =	vadd.f32 v7, v4;
	v7 =	vld [tilespmem:s17+$0x6E80]  }
0x4d: {  	v9 =	vld [tilespmem:s16+$0x5A80]  }
0x4e: {  	v3 =	vadd.f32 v3, v8;
	v4 =	vadd.f32 v6, v4;
	v8 =	vld [tilespmem:s17+$0x7100]  }
0x4f: {  	v10 =	vld [tilespmem:s16+$0x5D00]  }
.Ltmp2:
0x50: {  	v3 =	vadd.f32 v2, v3;
	v4 =	vadd.f32 v5, v4;
	v2 =	vld [tilespmem:s17+$0x7380];
	(pc) =	sbr.rel @p0 .LBB2_6-.Ltmp2, $4  }
0x51: {  	v5 =	vld [tilespmem:s16+$0x5F80]  }
0x52: {  	v9 =	vadd.f32 v9, v3;
	v11 =	vadd.f32 v7, v4;
	v3 =	vld [tilespmem:s17+$0x7600]  }
0x53: {  	v6 =	vld [tilespmem:s16+$0x6200]  }
0x54: {  	s18 =	sshra.s32 s19, $0x2;
	s19 =	sadd.s32 $0x40, s19;
	v7 =	vadd.f32 v10, v9;
	v4 =	vld [tilespmem:s16+$0x6480];
	v8 =	vadd.f32 v8, v11  }
0x55: {  	v9 =	vld [tilespmem:s18+$0x5080]  }
0x56: {  	v10 =	vld [tilespmem:s16+$0x6700];
	v2 =	vadd.f32 v2, v8  }
0x57: {  	v49 =	vld [tilespmem:s18+$0x5300]  }
0x58: {  	v11 =	vld [tilespmem:s16+$0x6980];
	v5 =	vadd.f32 v5, v7;
	v2 =	vadd.f32 v3, v2  }
0x59: {  	v3 =	vld [tilespmem:s18+$0x5580]  }
0x5a: {  	v50 =	vld [tilespmem:s16+$0x6C00];
	v5 =	vadd.f32 v6, v5;
	v51 =	vadd.f32 $0.0e+00, v9;
	[tilespmem:s17+$0x7880] =	vst v2  }
0x5b: {  	v2 =	vld [tilespmem:s18+$0x5800]  }
0x5c: {  	v4 =	vadd.f32 v4, v5;
	v52 =	vadd.f32 v49, v51  }
0x5d: {  	v53 =	vld [tilespmem:s18+$0x5A80]  }
0x5e: {  	v54 =	vld [tilespmem:s16+$0x6E80];
	v4 =	vadd.f32 v10, v4;
	v3 =	vadd.f32 v3, v52  }
0x5f: {  	v55 =	vld [tilespmem:s18+$0x5D00]  }
0x60: {  	v56 =	vld [tilespmem:s16+$0x7100];
	v4 =	vadd.f32 v11, v4;
	v2 =	vadd.f32 v2, v3  }
0x61: {  	v3 =	vld [tilespmem:s18+$0x5F80]  }
0x62: {  	v57 =	vld [tilespmem:s16+$0x7380];
	v4 =	vadd.f32 v50, v4;
	v2 =	vadd.f32 v53, v2  }
0x63: {  	v58 =	vld [tilespmem:s18+$0x6200]  }
0x64: {  	v59 =	vld [tilespmem:s16+$0x7600];
	v4 =	vadd.f32 v54, v4;
	v2 =	vadd.f32 v55, v2  }
0x65: {  	v60 =	vld [tilespmem:s18+$0x6480]  }
0x66: {  	v4 =	vadd.f32 v56, v4;
	v2 =	vadd.f32 v3, v2  }
0x67: {  	v3 =	vld [tilespmem:s18+$0x6700]  }
0x68: {  	v4 =	vadd.f32 v57, v4;
	v2 =	vadd.f32 v58, v2  }
0x69: {  	v61 =	vld [tilespmem:s18+$0x6980]  }
0x6a: {  	v4 =	vadd.f32 v59, v4;
	v2 =	vadd.f32 v60, v2  }
0x6b: {  	v62 =	vld [tilespmem:s18+$0x6C00]  }
0x6c: {  	[tilespmem:s16+$0x7880] =	vst v4;
	v2 =	vadd.f32 v3, v2  }
0x6d: {  	v3 =	vld [tilespmem:s18+$0x6E80]  }
0x6e: {  	v2 =	vadd.f32 v61, v2  }
0x6f: {  	v4 =	vld [tilespmem:s18+$0x7100]  }
0x70: {  	v2 =	vadd.f32 v62, v2  }
0x71: {  	v63 =	vld [tilespmem:s18+$0x7380]  }
0x72: {  	v2 =	vadd.f32 v3, v2  }
0x73: {  	v3 =	vld [tilespmem:s18+$0x7600]  }
0x74: {  	v2 =	vadd.f32 v4, v2;
	_ =	sdelay $0x1  }
0x75: {  	v2 =	vadd.f32 v63, v2;
	_ =	sdelay $0x1  }
0x76: {  	s15 =	sadd.s32 $0x1, s15;
	v2 =	vadd.f32 v3, v2  }
0x77: {  	p0 =	sne.s32 s15, s7  }
.Ltmp3:
0x78: {  	[tilespmem:s18+$0x7880] =	vst v2;
	(pc) =	sbr.rel @p0 .LBB2_1-.Ltmp3, $4  }
0x79: {  	[hbm4b:s6+s2] =	stream.linear.scatter [tilespmem:s14], [sflag:$0x2], $0x280, $0x38;
	[tilespmem:$0xA300] =	vst v63  }
0x7a: {  	_ =	swait.ge [sflag:s10], $0x280  }
0x7b: {  	[sflag:s10] =	ssyncset.done $0x0  }
0x7c: {  	[sflag:s10] =	ssyncadd.s32 $0xFFFFFD80  }
0x7d: {  	_ =	sfence.sel $0x180000  }
0x7e: {  	[bflag:$0x0] =	sbarrier.arrive $0xFFFF  }
0x7f: {  	p0 =	sne.s32 s1, $0x0;
	_ =	strace $0x90000047  }
0x80: {  	s0 =	sadd.s32 @!p0 $0x100000, s0;
	[bflag:$0x2] =	sbarrier.arrive $0xFFFF  }
0x81: {  	[sflag:s0] =	ssyncadd.tile.s32 @!p0 $0x1;
	_ =	shalt  }
.Lfunc_end2:
_tile_overlayer_lowered:
.L_overlay_start_2:
0x82: {  	(tag) =	ssettag $0x2  }
0x83: {  	s0 =	rddreg [dreg:$0x0];
	s2 =	stileid.u32  }
0x84: {  	s1 =	rddreg [dreg:$0x1];
	p0 =	sne.s32 s2, $0x0  }
0x85: {  	s3 =	rddreg [dreg:$0x2];
	[bflag:$0x3] =	sbarrier.arrive $0xFFFF;
	s2 =	simm.s32 @!p0 $0x1C02  }
0x86: {  	[timem:s3], [sflag:s2] =	dma.local @!p0 [hbm:s0], s1  }
0x87: {  	s0 =	simm.s32 @!p0 $0x2  }
0x88: {  	_ =	swait.ge @!p0 [sflag:s0], s1  }
0x89: {  	s1 =	ssub.s32 @!p0 $0x0, s1;
	[sflag:s0] =	ssyncset.done @!p0 $0x0  }
0x8a: {  	[sflag:s0] =	ssyncadd.s32 @!p0 s1  }
0x8b: {  	[bflag:$0x3] =	sbarrier.arrive $0xFFFF  }
0x8c: {  	_ =	shalt  }

</sc_bundles>
